<compile_context>
chip_gen: v7x
topology: tpu7x:2x2x1
jax: 0.10.2.dev20260603
libtpu: 0.0.44.dev20260713+nightly
codegen_flags: <defaults>
</compile_context>

<pallas_src>
import jax
import jax.numpy as jnp
from jax import lax
from jax.experimental import pallas as pl
from jax.experimental.pallas import tpu as pltpu
from jax.experimental.pallas import tpu_sc as plsc

BATCH = 4096
EMB = 4096
DIM = 8192
LANES = 16
NC = 2
NS = 16
NW = NC * NS

SC_ROWS = 1280
TC_ROWS = BATCH - SC_ROWS
ROWS_PER_W = SC_ROWS // NW
CHUNK = 8
NCHUNK = ROWS_PER_W // CHUNK
NBUF = 3
BR = 256


def _sc_body(x_hbm, idx_hbm, weight_hbm, bias_hbm, dv_hbm, cache_hbm, out_hbm,
             buf0, buf1, buf2, cache_v, w16_v, b16_v, idx_v, dv_v,
             sg, si0, si1, si2, so0, so1, so2):
    bufs = (buf0, buf1, buf2)
    in_sems = (si0, si1, si2)
    out_sems = (so0, so1, so2)

    wid = lax.axis_index("s") * NC + lax.axis_index("c")
    row0 = wid * ROWS_PER_W

    def xrow(g):
        return TC_ROWS + row0 + g * CHUNK

    pltpu.sync_copy(idx_hbm, idx_v)
    pltpu.sync_copy(dv_hbm, dv_v)
    pltpu.async_copy(weight_hbm.at[idx_v], w16_v, sg).wait()
    pltpu.async_copy(bias_hbm.at[idx_v], b16_v, sg).wait()
    wv = w16_v[...]
    bv = b16_v[...]
    dvv = jnp.clip(dv_v[...], 0.9, 1.0)

    pltpu.sync_copy(cache_hbm, cache_v)

    def addend_body(j, _):
        sl = pl.ds(j * LANES, LANES)
        cache_v[sl] = cache_v[sl] * dvv + bv
        return _

    lax.fori_loop(0, EMB // LANES, addend_body, 0, unroll=4)

    def start_in(g):
        sl = pl.ds(xrow(g), CHUNK)
        return pltpu.async_copy(x_hbm.at[sl, :], bufs[g % NBUF], in_sems[g % NBUF])

    def start_out(g):
        sl = pl.ds(row0 + g * CHUNK, CHUNK)
        return pltpu.async_copy(bufs[g % NBUF], out_hbm.at[sl, :], out_sems[g % NBUF])

    copies_in = {g: start_in(g) for g in range(min(2, NCHUNK))}
    copies_out = {}
    for g in range(NCHUNK):
        buf = bufs[g % NBUF]
        copies_in[g].wait()

        def compute_body(j, _, buf=buf):
            sl = pl.ds(j * LANES, LANES)
            a = cache_v[sl]
            for rr in range(CHUNK):
                buf[rr, sl] = buf[rr, sl] * wv + a
            return _

        lax.fori_loop(0, EMB // LANES, compute_body, 0)
        copies_out[g] = start_out(g)
        if g + 2 < NCHUNK:
            if g >= 1:
                copies_out[g - 1].wait()
            copies_in[g + 2] = start_in(g + 2)
    if NCHUNK >= 2:
        copies_out[NCHUNK - 2].wait()
    copies_out[NCHUNK - 1].wait()


_sc_call = pl.kernel(
    _sc_body,
    out_type=jax.ShapeDtypeStruct((SC_ROWS, EMB), jnp.float32),
    mesh=plsc.VectorSubcoreMesh(core_axis_name="c", subcore_axis_name="s"),
    scratch_types=[
        pltpu.VMEM((CHUNK, EMB), jnp.float32),
        pltpu.VMEM((CHUNK, EMB), jnp.float32),
        pltpu.VMEM((CHUNK, EMB), jnp.float32),
        pltpu.VMEM((EMB,), jnp.float32),
        pltpu.VMEM((LANES,), jnp.float32),
        pltpu.VMEM((LANES,), jnp.float32),
        pltpu.VMEM((LANES,), jnp.int32),
        pltpu.VMEM((LANES,), jnp.float32),
        pltpu.SemaphoreType.DMA,
        pltpu.SemaphoreType.DMA,
        pltpu.SemaphoreType.DMA,
        pltpu.SemaphoreType.DMA,
        pltpu.SemaphoreType.DMA,
        pltpu.SemaphoreType.DMA,
        pltpu.SemaphoreType.DMA,
    ],
)


def _tc_body(idx_ref, dv_ref, x_ref, w_ref, b_ref, cache_ref, out_ref):
    idx = idx_ref[0]
    iota = lax.broadcasted_iota(jnp.int32, (1, DIM), 1)
    sel = (iota == idx).astype(jnp.float32)
    w = jnp.sum(w_ref[...] * sel)
    b = jnp.sum(b_ref[...] * sel)
    dv = jnp.clip(dv_ref[0], 0.9, 1.0)
    addend = dv * cache_ref[...] + b
    out_ref[...] = x_ref[...] * w + addend


_tc_call = pl.pallas_call(
    _tc_body,
    grid=(TC_ROWS // BR,),
    in_specs=[
        pl.BlockSpec(memory_space=pltpu.SMEM),
        pl.BlockSpec(memory_space=pltpu.SMEM),
        pl.BlockSpec((BR, EMB), lambda i: (i, 0)),
        pl.BlockSpec((1, DIM), lambda i: (0, 0)),
        pl.BlockSpec((1, DIM), lambda i: (0, 0)),
        pl.BlockSpec((1, EMB), lambda i: (0, 0)),
    ],
    out_specs=pl.BlockSpec((BR, EMB), lambda i: (i, 0)),
    out_shape=jax.ShapeDtypeStruct((TC_ROWS, EMB), jnp.float32),
)


@jax.jit
def kernel(x, index, weight, bias, decay_value, cache):
    idx16 = jnp.full((LANES,), index, jnp.int32)
    dv16 = jnp.broadcast_to(decay_value.astype(jnp.float32), (LANES,))
    sc_out = _sc_call(x, idx16, weight.reshape(DIM), bias, dv16, cache)
    idx1 = jnp.asarray(index, jnp.int32).reshape(1)
    dv1 = decay_value.astype(jnp.float32).reshape(1)
    tc_out = _tc_call(idx1, dv1, x, weight.reshape(1, DIM),
                      bias.reshape(1, DIM), cache.reshape(1, EMB))
    return (tc_out, sc_out)

# --- scband reference (transcript-rebuilt; emitter-appended) ---
"""Pipeline reference for scband-row-repeat-causal-linear-27230092656746 (READ-ONLY COPY).

The authoritative reference and input builder live on the scoring server;
editing this copy changes nothing except your own understanding.
"""

import jax, jax.numpy as jnp
import numpy as np

DIM = 8192
EMBEDDING_DIM = 4096
BATCH = 4096
DECAY_CONSTANT = 1


def setup_inputs(seed: int = 0) -> dict:
    key = jax.random.key(seed)
    k1, k2 = jax.random.split(key, 2)
    x = jax.random.normal(k1, (BATCH, EMBEDDING_DIM), dtype=jnp.float32)
    index = 1234  # python int scalar forward arg, < DIM
    # learned parameters / state, sized per init_kwargs
    weight = jax.random.normal(k2, (1, DIM), dtype=jnp.float32)
    bias = jnp.zeros((DIM,), dtype=jnp.float32)
    decay_value = jnp.ones((1,), dtype=jnp.float32)
    cache = jnp.zeros((EMBEDDING_DIM,), dtype=jnp.float32)
    return {"x": x, "index": index, "weight": weight, "bias": bias, "decay_value": decay_value, "cache": cache}


def reference(x, index, weight, bias, decay_value, cache):
    # decay_value = self.decay_value.clip(min=0.9, max=1) ** (1 / self.decay_constant)
    dv = jnp.clip(decay_value, 0.9, 1.0) ** (1.0 / DECAY_CONSTANT)
    # out = self.weight[0, index] * x + decay_value * self.cache + self.bias[index]
    out = weight[0, index] * x + dv * cache + bias[index]
    # (cache side-effect: new_cache = out - bias[index]; functional reference returns out)
    return out

if __name__ == "__main__":
    import jax
    _d = setup_inputs()
    print(jax.jit(kernel)(*tuple(_d.values())))

</pallas_src>

<mosaic_0001>
#map = affine_map<(d0, d1) -> (0, 0)>
#map1 = affine_map<(d0, d1) -> (0)>
module attributes {stable_mosaic.version = 14 : i64} {
  func.func @_sc_body(%arg0: i32, %arg1: i32, %arg2: memref<4096x4096xf32, #tpu.memory_space<hbm>>, %arg3: memref<16xi32, #tpu.memory_space<hbm>>, %arg4: memref<8192xf32, #tpu.memory_space<hbm>>, %arg5: memref<8192xf32, #tpu.memory_space<hbm>>, %arg6: memref<16xf32, #tpu.memory_space<hbm>>, %arg7: memref<4096xf32, #tpu.memory_space<hbm>>, %arg8: memref<1280x4096xf32, #tpu.memory_space<hbm>>, %arg9: memref<8x4096xf32, #tpu.memory_space<vmem>>, %arg10: memref<8x4096xf32, #tpu.memory_space<vmem>>, %arg11: memref<8x4096xf32, #tpu.memory_space<vmem>>, %arg12: memref<4096xf32, #tpu.memory_space<vmem>>, %arg13: memref<16xf32, #tpu.memory_space<vmem>>, %arg14: memref<16xf32, #tpu.memory_space<vmem>>, %arg15: memref<16xi32, #tpu.memory_space<vmem>>, %arg16: memref<16xf32, #tpu.memory_space<vmem>>, %arg17: memref<!tpu.dma_semaphore, #tpu.memory_space<semaphore_mem>>, %arg18: memref<!tpu.dma_semaphore, #tpu.memory_space<semaphore_mem>>, %arg19: memref<!tpu.dma_semaphore, #tpu.memory_space<semaphore_mem>>, %arg20: memref<!tpu.dma_semaphore, #tpu.memory_space<semaphore_mem>>, %arg21: memref<!tpu.dma_semaphore, #tpu.memory_space<semaphore_mem>>, %arg22: memref<!tpu.dma_semaphore, #tpu.memory_space<semaphore_mem>>, %arg23: memref<!tpu.dma_semaphore, #tpu.memory_space<semaphore_mem>>) attributes {dimension_semantics = [#tpu.dimension_semantics<core_parallel>, #tpu.dimension_semantics<subcore_parallel>], iteration_bounds = array<i64: 2, 16>, scalar_prefetch = 0 : i64, scratch_operands = 15 : i64, tpu.core_type = #tpu.core_type<sc_vector_subcore>, window_params = [{transform_indices = #map}, {transform_indices = #map1}, {transform_indices = #map1}, {transform_indices = #map1}, {transform_indices = #map1}, {transform_indices = #map1}, {transform_indices = #map}]} {
    %mul3A = arith.constant 2 : i32
    %mul3A_0 = arith.muli %arg1, %mul3A : i32
    %add3A = arith.addi %mul3A_0, %arg0 : i32
    %mul3A_1 = arith.constant 40 : i32
    %mul3A_2 = arith.muli %add3A, %mul3A_1 : i32
    "tpu.region"() ({
      %run_scoped3A = tpu.sem_alloc : memref<!tpu.dma_semaphore, #tpu.memory_space<semaphore_mem>>
      tpu.enqueue_dma source(%arg3 : memref<16xi32, #tpu.memory_space<hbm>>) target(%arg15 : memref<16xi32, #tpu.memory_space<vmem>>) target_semaphore(%run_scoped3A : memref<!tpu.dma_semaphore, #tpu.memory_space<semaphore_mem>>)
      tpu.wait_dma2 semaphore(%run_scoped3A : memref<!tpu.dma_semaphore, #tpu.memory_space<semaphore_mem>>) src(%arg3 : memref<16xi32, #tpu.memory_space<hbm>>) dst(%arg15 : memref<16xi32, #tpu.memory_space<vmem>>)
      tpu.yield
    }) : () -> ()
    "tpu.region"() ({
      %run_scoped3A = tpu.sem_alloc : memref<!tpu.dma_semaphore, #tpu.memory_space<semaphore_mem>>
      tpu.enqueue_dma source(%arg6 : memref<16xf32, #tpu.memory_space<hbm>>) target(%arg16 : memref<16xf32, #tpu.memory_space<vmem>>) target_semaphore(%run_scoped3A : memref<!tpu.dma_semaphore, #tpu.memory_space<semaphore_mem>>)
      tpu.wait_dma2 semaphore(%run_scoped3A : memref<!tpu.dma_semaphore, #tpu.memory_space<semaphore_mem>>) src(%arg6 : memref<16xf32, #tpu.memory_space<hbm>>) dst(%arg16 : memref<16xf32, #tpu.memory_space<vmem>>)
      tpu.yield
    }) : () -> ()
    %dma_start3A = arith.constant 0 : i32
    %dma_start3A_3 = tpu.memref_slice %arg4[%dma_start3A] : memref<8192xf32, #tpu.memory_space<hbm>> -> memref<8192xf32, #tpu.memory_space<hbm>>
    tpu.enqueue_indirect_dma source(%dma_start3A_3 : memref<8192xf32, #tpu.memory_space<hbm>>) target(%arg13 : memref<16xf32, #tpu.memory_space<vmem>>) offsets(%arg15 : memref<16xi32, #tpu.memory_space<vmem>>) semaphore(%arg17 : memref<!tpu.dma_semaphore, #tpu.memory_space<semaphore_mem>>)
    %dma_wait3A = arith.constant 0 : i32
    %dma_wait3A_4 = tpu.memref_slice %arg4[%dma_wait3A] : memref<8192xf32, #tpu.memory_space<hbm>> -> memref<8192xf32, #tpu.memory_space<hbm>>
    tpu.wait_indirect_dma semaphore(%arg17 : memref<!tpu.dma_semaphore, #tpu.memory_space<semaphore_mem>>) src(%dma_wait3A_4 : memref<8192xf32, #tpu.memory_space<hbm>>) dst(%arg13 : memref<16xf32, #tpu.memory_space<vmem>>)
    %dma_start3A_5 = arith.constant 0 : i32
    %dma_start3A_6 = tpu.memref_slice %arg5[%dma_start3A_5] : memref<8192xf32, #tpu.memory_space<hbm>> -> memref<8192xf32, #tpu.memory_space<hbm>>
    tpu.enqueue_indirect_dma source(%dma_start3A_6 : memref<8192xf32, #tpu.memory_space<hbm>>) target(%arg14 : memref<16xf32, #tpu.memory_space<vmem>>) offsets(%arg15 : memref<16xi32, #tpu.memory_space<vmem>>) semaphore(%arg17 : memref<!tpu.dma_semaphore, #tpu.memory_space<semaphore_mem>>)
    %dma_wait3A_7 = arith.constant 0 : i32
    %dma_wait3A_8 = tpu.memref_slice %arg5[%dma_wait3A_7] : memref<8192xf32, #tpu.memory_space<hbm>> -> memref<8192xf32, #tpu.memory_space<hbm>>
    tpu.wait_indirect_dma semaphore(%arg17 : memref<!tpu.dma_semaphore, #tpu.memory_space<semaphore_mem>>) src(%dma_wait3A_8 : memref<8192xf32, #tpu.memory_space<hbm>>) dst(%arg14 : memref<16xf32, #tpu.memory_space<vmem>>)
    %get3A = arith.constant 0 : index
    %get3A_9 = tpu.vector_load %arg13[%get3A] {strides = array<i32>} : memref<16xf32, #tpu.memory_space<vmem>>, vector<16xf32>,
    %get3A_10 = vector.shape_cast %get3A_9 : vector<16xf32> to vector<16xf32>
    %get3A_11 = arith.constant 0 : index
    %get3A_12 = tpu.vector_load %arg14[%get3A_11] {strides = array<i32>} : memref<16xf32, #tpu.memory_space<vmem>>, vector<16xf32>,
    %get3A_13 = vector.shape_cast %get3A_12 : vector<16xf32> to vector<16xf32>
    %get3A_14 = arith.constant 0 : index
    %get3A_15 = tpu.vector_load %arg16[%get3A_14] {strides = array<i32>} : memref<16xf32, #tpu.memory_space<vmem>>, vector<16xf32>,
    %get3A_16 = vector.shape_cast %get3A_15 : vector<16xf32> to vector<16xf32>
    %jit3A = arith.constant 0.899999976 : f32
    %jit3A_17 = arith.constant 1.000000e+00 : f32
    %max3A = vector.broadcast %jit3A : f32 to vector<16xf32>
    %max3A_18 = arith.maximumf %max3A, %get3A_16 : vector<16xf32>
    %min3A = vector.broadcast %jit3A_17 : f32 to vector<16xf32>
    %min3A_19 = arith.minimumf %min3A, %max3A_18 : vector<16xf32>
    "tpu.region"() ({
      %run_scoped3A = tpu.sem_alloc : memref<!tpu.dma_semaphore, #tpu.memory_space<semaphore_mem>>
      tpu.enqueue_dma source(%arg7 : memref<4096xf32, #tpu.memory_space<hbm>>) target(%arg12 : memref<4096xf32, #tpu.memory_space<vmem>>) target_semaphore(%run_scoped3A : memref<!tpu.dma_semaphore, #tpu.memory_space<semaphore_mem>>)
      tpu.wait_dma2 semaphore(%run_scoped3A : memref<!tpu.dma_semaphore, #tpu.memory_space<semaphore_mem>>) src(%arg7 : memref<4096xf32, #tpu.memory_space<hbm>>) dst(%arg12 : memref<4096xf32, #tpu.memory_space<vmem>>)
      tpu.yield
    }) : () -> ()
    %scan3A = arith.constant 0 : i32
    %scan3A_20 = arith.constant 0 : i32
    %scan3A_21 = arith.constant 256 : i32
    %scan3A_22 = arith.addi %scan3A_20, %scan3A_21 : i32
    %scan3A_23 = arith.constant 4 : i32
    scf.for %scan3A_161 = %scan3A_20 to %scan3A_22 step %scan3A_23  : i32 {
      %mul3A_162 = arith.constant 16 : i32
      %mul3A_163 = arith.muli %scan3A_161, %mul3A_162 : i32
      %get3A_164 = arith.index_cast %mul3A_163 : i32 to index
      %get3A_165 = tpu.vector_load %arg12[%get3A_164] {strides = array<i32>} : memref<4096xf32, #tpu.memory_space<vmem>>, vector<16xf32>,
      %get3A_166 = vector.shape_cast %get3A_165 : vector<16xf32> to vector<16xf32>
      %mul3A_167 = arith.mulf %get3A_166, %min3A_19 : vector<16xf32>
      %add3A_168 = arith.addf %mul3A_167, %get3A_13 : vector<16xf32>
      %swap3A = arith.index_cast %mul3A_163 : i32 to index
      %swap3A_169 = tpu.vector_load %arg12[%swap3A] {strides = array<i32>} : memref<4096xf32, #tpu.memory_space<vmem>>, vector<16xf32>,
      %swap3A_170 = vector.shape_cast %swap3A_169 : vector<16xf32> to vector<16xf32>
      %swap3A_171 = vector.shape_cast %add3A_168 : vector<16xf32> to vector<16xf32>
      tpu.vector_store %arg12[%swap3A], %swap3A_171 {strides = array<i32>} : memref<4096xf32, #tpu.memory_space<vmem>>, vector<16xf32>,
      %scan3A_172 = arith.constant 1 : i32
      %scan3A_173 = arith.addi %scan3A_161, %scan3A_172 : i32
      %mul3A_174 = arith.constant 16 : i32
      %mul3A_175 = arith.muli %scan3A_173, %mul3A_174 : i32
      %get3A_176 = arith.index_cast %mul3A_175 : i32 to index
      %get3A_177 = tpu.vector_load %arg12[%get3A_176] {strides = array<i32>} : memref<4096xf32, #tpu.memory_space<vmem>>, vector<16xf32>,
      %get3A_178 = vector.shape_cast %get3A_177 : vector<16xf32> to vector<16xf32>
      %mul3A_179 = arith.mulf %get3A_178, %min3A_19 : vector<16xf32>
      %add3A_180 = arith.addf %mul3A_179, %get3A_13 : vector<16xf32>
      %swap3A_181 = arith.index_cast %mul3A_175 : i32 to index
      %swap3A_182 = tpu.vector_load %arg12[%swap3A_181] {strides = array<i32>} : memref<4096xf32, #tpu.memory_space<vmem>>, vector<16xf32>,
      %swap3A_183 = vector.shape_cast %swap3A_182 : vector<16xf32> to vector<16xf32>
      %swap3A_184 = vector.shape_cast %add3A_180 : vector<16xf32> to vector<16xf32>
      tpu.vector_store %arg12[%swap3A_181], %swap3A_184 {strides = array<i32>} : memref<4096xf32, #tpu.memory_space<vmem>>, vector<16xf32>,
      %scan3A_185 = arith.constant 2 : i32
      %scan3A_186 = arith.addi %scan3A_161, %scan3A_185 : i32
      %mul3A_187 = arith.constant 16 : i32
      %mul3A_188 = arith.muli %scan3A_186, %mul3A_187 : i32
      %get3A_189 = arith.index_cast %mul3A_188 : i32 to index
      %get3A_190 = tpu.vector_load %arg12[%get3A_189] {strides = array<i32>} : memref<4096xf32, #tpu.memory_space<vmem>>, vector<16xf32>,
      %get3A_191 = vector.shape_cast %get3A_190 : vector<16xf32> to vector<16xf32>
      %mul3A_192 = arith.mulf %get3A_191, %min3A_19 : vector<16xf32>
      %add3A_193 = arith.addf %mul3A_192, %get3A_13 : vector<16xf32>
      %swap3A_194 = arith.index_cast %mul3A_188 : i32 to index
      %swap3A_195 = tpu.vector_load %arg12[%swap3A_194] {strides = array<i32>} : memref<4096xf32, #tpu.memory_space<vmem>>, vector<16xf32>,
      %swap3A_196 = vector.shape_cast %swap3A_195 : vector<16xf32> to vector<16xf32>
      %swap3A_197 = vector.shape_cast %add3A_193 : vector<16xf32> to vector<16xf32>
      tpu.vector_store %arg12[%swap3A_194], %swap3A_197 {strides = array<i32>} : memref<4096xf32, #tpu.memory_space<vmem>>, vector<16xf32>,
      %scan3A_198 = arith.constant 3 : i32
      %scan3A_199 = arith.addi %scan3A_161, %scan3A_198 : i32
      %mul3A_200 = arith.constant 16 : i32
      %mul3A_201 = arith.muli %scan3A_199, %mul3A_200 : i32
      %get3A_202 = arith.index_cast %mul3A_201 : i32 to index
      %get3A_203 = tpu.vector_load %arg12[%get3A_202] {strides = array<i32>} : memref<4096xf32, #tpu.memory_space<vmem>>, vector<16xf32>,
      %get3A_204 = vector.shape_cast %get3A_203 : vector<16xf32> to vector<16xf32>
      %mul3A_205 = arith.mulf %get3A_204, %min3A_19 : vector<16xf32>
      %add3A_206 = arith.addf %mul3A_205, %get3A_13 : vector<16xf32>
      %swap3A_207 = arith.index_cast %mul3A_201 : i32 to index
      %swap3A_208 = tpu.vector_load %arg12[%swap3A_207] {strides = array<i32>} : memref<4096xf32, #tpu.memory_space<vmem>>, vector<16xf32>,
      %swap3A_209 = vector.shape_cast %swap3A_208 : vector<16xf32> to vector<16xf32>
      %swap3A_210 = vector.shape_cast %add3A_206 : vector<16xf32> to vector<16xf32>
      tpu.vector_store %arg12[%swap3A_207], %swap3A_210 {strides = array<i32>} : memref<4096xf32, #tpu.memory_space<vmem>>, vector<16xf32>,
    }
    %scan3A_24 = arith.constant 256 : i32
    %add3A_25 = arith.constant 2816 : i32
    %add3A_26 = arith.addi %add3A_25, %mul3A_2 : i32
    %add3A_27 = arith.constant 0 : i32
    %add3A_28 = arith.addi %add3A_26, %add3A_27 : i32
    %dma_start3A_29 = arith.constant 0 : i32
    %dma_start3A_30 = tpu.memref_slice %arg2[%add3A_28, %dma_start3A_29] : memref<4096x4096xf32, #tpu.memory_space<hbm>> -> memref<8x4096xf32, #tpu.memory_space<hbm>>
    %dma_start3A_31 = arith.constant 0 : i32
    %dma_start3A_32 = tpu.memref_slice %arg2[%add3A_28, %dma_start3A_31] : memref<4096x4096xf32, #tpu.memory_space<hbm>> -> memref<8x4096xf32, #tpu.memory_space<hbm>>
    tpu.enqueue_dma source(%dma_start3A_32 : memref<8x4096xf32, #tpu.memory_space<hbm>>) target(%arg9 : memref<8x4096xf32, #tpu.memory_space<vmem>>) target_semaphore(%arg18 : memref<!tpu.dma_semaphore, #tpu.memory_space<semaphore_mem>>)
    %add3A_33 = arith.constant 2816 : i32
    %add3A_34 = arith.addi %add3A_33, %mul3A_2 : i32
    %add3A_35 = arith.constant 8 : i32
    %add3A_36 = arith.addi %add3A_34, %add3A_35 : i32
    %dma_start3A_37 = arith.constant 0 : i32
    %dma_start3A_38 = tpu.memref_slice %arg2[%add3A_36, %dma_start3A_37] : memref<4096x4096xf32, #tpu.memory_space<hbm>> -> memref<8x4096xf32, #tpu.memory_space<hbm>>
    %dma_start3A_39 = arith.constant 0 : i32
    %dma_start3A_40 = tpu.memref_slice %arg2[%add3A_36, %dma_start3A_39] : memref<4096x4096xf32, #tpu.memory_space<hbm>> -> memref<8x4096xf32, #tpu.memory_space<hbm>>
    tpu.enqueue_dma source(%dma_start3A_40 : memref<8x4096xf32, #tpu.memory_space<hbm>>) target(%arg10 : memref<8x4096xf32, #tpu.memory_space<vmem>>) target_semaphore(%arg19 : memref<!tpu.dma_semaphore, #tpu.memory_space<semaphore_mem>>)
    %dma_wait3A_41 = arith.constant 0 : i32
    %dma_wait3A_42 = tpu.memref_slice %arg2[%add3A_28, %dma_wait3A_41] : memref<4096x4096xf32, #tpu.memory_space<hbm>> -> memref<8x4096xf32, #tpu.memory_space<hbm>>
    %dma_wait3A_43 = arith.constant 0 : i32
    %dma_wait3A_44 = tpu.memref_slice %arg2[%add3A_28, %dma_wait3A_43] : memref<4096x4096xf32, #tpu.memory_space<hbm>> -> memref<8x4096xf32, #tpu.memory_space<hbm>>
    tpu.wait_dma2 semaphore(%arg18 : memref<!tpu.dma_semaphore, #tpu.memory_space<semaphore_mem>>) src(%dma_wait3A_44 : memref<8x4096xf32, #tpu.memory_space<hbm>>) dst(%arg9 : memref<8x4096xf32, #tpu.memory_space<vmem>>)
    %scan3A_45 = arith.constant 0 : i32
    %scan3A_46 = arith.constant 0 : i32
    %scan3A_47 = arith.constant 256 : i32
    %scan3A_48 = arith.addi %scan3A_46, %scan3A_47 : i32
    %scan3A_49 = arith.constant 1 : i32
    scf.for %scan3A_161 = %scan3A_46 to %scan3A_48 step %scan3A_49  : i32 {
      %mul3A_162 = arith.constant 16 : i32
      %mul3A_163 = arith.muli %scan3A_161, %mul3A_162 : i32
      %get3A_164 = arith.index_cast %mul3A_163 : i32 to index
      %get3A_165 = tpu.vector_load %arg12[%get3A_164] {strides = array<i32>} : memref<4096xf32, #tpu.memory_space<vmem>>, vector<16xf32>,
      %get3A_166 = vector.shape_cast %get3A_165 : vector<16xf32> to vector<16xf32>
      %get3A_167 = arith.constant 0 : i32
      %get3A_168 = arith.index_cast %get3A_167 : i32 to index
      %get3A_169 = arith.index_cast %mul3A_163 : i32 to index
      %get3A_170 = tpu.vector_load %arg9[%get3A_168, %get3A_169] {strides = array<i32>} : memref<8x4096xf32, #tpu.memory_space<vmem>>, vector<1x16xf32>,
      %get3A_171 = vector.shape_cast %get3A_170 : vector<1x16xf32> to vector<16xf32>
      %mul3A_172 = arith.mulf %get3A_171, %get3A_10 : vector<16xf32>
      %add3A_173 = arith.addf %mul3A_172, %get3A_166 : vector<16xf32>
      %swap3A = arith.constant 0 : i32
      %swap3A_174 = arith.index_cast %swap3A : i32 to index
      %swap3A_175 = arith.index_cast %mul3A_163 : i32 to index
      %swap3A_176 = tpu.vector_load %arg9[%swap3A_174, %swap3A_175] {strides = array<i32>} : memref<8x4096xf32, #tpu.memory_space<vmem>>, vector<1x16xf32>,
      %swap3A_177 = vector.shape_cast %swap3A_176 : vector<1x16xf32> to vector<16xf32>
      %swap3A_178 = vector.shape_cast %add3A_173 : vector<16xf32> to vector<1x16xf32>
      tpu.vector_store %arg9[%swap3A_174, %swap3A_175], %swap3A_178 {strides = array<i32>} : memref<8x4096xf32, #tpu.memory_space<vmem>>, vector<1x16xf32>,
      %get3A_179 = arith.constant 1 : i32
      %get3A_180 = arith.index_cast %get3A_179 : i32 to index
      %get3A_181 = arith.index_cast %mul3A_163 : i32 to index
      %get3A_182 = tpu.vector_load %arg9[%get3A_180, %get3A_181] {strides = array<i32>} : memref<8x4096xf32, #tpu.memory_space<vmem>>, vector<1x16xf32>,
      %get3A_183 = vector.shape_cast %get3A_182 : vector<1x16xf32> to vector<16xf32>
      %mul3A_184 = arith.mulf %get3A_183, %get3A_10 : vector<16xf32>
      %add3A_185 = arith.addf %mul3A_184, %get3A_166 : vector<16xf32>
      %swap3A_186 = arith.constant 1 : i32
      %swap3A_187 = arith.index_cast %swap3A_186 : i32 to index
      %swap3A_188 = arith.index_cast %mul3A_163 : i32 to index
      %swap3A_189 = tpu.vector_load %arg9[%swap3A_187, %swap3A_188] {strides = array<i32>} : memref<8x4096xf32, #tpu.memory_space<vmem>>, vector<1x16xf32>,
      %swap3A_190 = vector.shape_cast %swap3A_189 : vector<1x16xf32> to vector<16xf32>
      %swap3A_191 = vector.shape_cast %add3A_185 : vector<16xf32> to vector<1x16xf32>
      tpu.vector_store %arg9[%swap3A_187, %swap3A_188], %swap3A_191 {strides = array<i32>} : memref<8x4096xf32, #tpu.memory_space<vmem>>, vector<1x16xf32>,
      %get3A_192 = arith.constant 2 : i32
      %get3A_193 = arith.index_cast %get3A_192 : i32 to index
      %get3A_194 = arith.index_cast %mul3A_163 : i32 to index
      %get3A_195 = tpu.vector_load %arg9[%get3A_193, %get3A_194] {strides = array<i32>} : memref<8x4096xf32, #tpu.memory_space<vmem>>, vector<1x16xf32>,
      %get3A_196 = vector.shape_cast %get3A_195 : vector<1x16xf32> to vector<16xf32>
      %mul3A_197 = arith.mulf %get3A_196, %get3A_10 : vector<16xf32>
      %add3A_198 = arith.addf %mul3A_197, %get3A_166 : vector<16xf32>
      %swap3A_199 = arith.constant 2 : i32
      %swap3A_200 = arith.index_cast %swap3A_199 : i32 to index
      %swap3A_201 = arith.index_cast %mul3A_163 : i32 to index
      %swap3A_202 = tpu.vector_load %arg9[%swap3A_200, %swap3A_201] {strides = array<i32>} : memref<8x4096xf32, #tpu.memory_space<vmem>>, vector<1x16xf32>,
      %swap3A_203 = vector.shape_cast %swap3A_202 : vector<1x16xf32> to vector<16xf32>
      %swap3A_204 = vector.shape_cast %add3A_198 : vector<16xf32> to vector<1x16xf32>
      tpu.vector_store %arg9[%swap3A_200, %swap3A_201], %swap3A_204 {strides = array<i32>} : memref<8x4096xf32, #tpu.memory_space<vmem>>, vector<1x16xf32>,
      %get3A_205 = arith.constant 3 : i32
      %get3A_206 = arith.index_cast %get3A_205 : i32 to index
      %get3A_207 = arith.index_cast %mul3A_163 : i32 to index
      %get3A_208 = tpu.vector_load %arg9[%get3A_206, %get3A_207] {strides = array<i32>} : memref<8x4096xf32, #tpu.memory_space<vmem>>, vector<1x16xf32>,
      %get3A_209 = vector.shape_cast %get3A_208 : vector<1x16xf32> to vector<16xf32>
      %mul3A_210 = arith.mulf %get3A_209, %get3A_10 : vector<16xf32>
      %add3A_211 = arith.addf %mul3A_210, %get3A_166 : vector<16xf32>
      %swap3A_212 = arith.constant 3 : i32
      %swap3A_213 = arith.index_cast %swap3A_212 : i32 to index
      %swap3A_214 = arith.index_cast %mul3A_163 : i32 to index
      %swap3A_215 = tpu.vector_load %arg9[%swap3A_213, %swap3A_214] {strides = array<i32>} : memref<8x4096xf32, #tpu.memory_space<vmem>>, vector<1x16xf32>,
      %swap3A_216 = vector.shape_cast %swap3A_215 : vector<1x16xf32> to vector<16xf32>
      %swap3A_217 = vector.shape_cast %add3A_211 : vector<16xf32> to vector<1x16xf32>
      tpu.vector_store %arg9[%swap3A_213, %swap3A_214], %swap3A_217 {strides = array<i32>} : memref<8x4096xf32, #tpu.memory_space<vmem>>, vector<1x16xf32>,
      %get3A_218 = arith.constant 4 : i32
      %get3A_219 = arith.index_cast %get3A_218 : i32 to index
      %get3A_220 = arith.index_cast %mul3A_163 : i32 to index
      %get3A_221 = tpu.vector_load %arg9[%get3A_219, %get3A_220] {strides = array<i32>} : memref<8x4096xf32, #tpu.memory_space<vmem>>, vector<1x16xf32>,
      %get3A_222 = vector.shape_cast %get3A_221 : vector<1x16xf32> to vector<16xf32>
      %mul3A_223 = arith.mulf %get3A_222, %get3A_10 : vector<16xf32>
      %add3A_224 = arith.addf %mul3A_223, %get3A_166 : vector<16xf32>
      %swap3A_225 = arith.constant 4 : i32
      %swap3A_226 = arith.index_cast %swap3A_225 : i32 to index
      %swap3A_227 = arith.index_cast %mul3A_163 : i32 to index
      %swap3A_228 = tpu.vector_load %arg9[%swap3A_226, %swap3A_227] {strides = array<i32>} : memref<8x4096xf32, #tpu.memory_space<vmem>>, vector<1x16xf32>,
      %swap3A_229 = vector.shape_cast %swap3A_228 : vector<1x16xf32> to vector<16xf32>
      %swap3A_230 = vector.shape_cast %add3A_224 : vector<16xf32> to vector<1x16xf32>
      tpu.vector_store %arg9[%swap3A_226, %swap3A_227], %swap3A_230 {strides = array<i32>} : memref<8x4096xf32, #tpu.memory_space<vmem>>, vector<1x16xf32>,
      %get3A_231 = arith.constant 5 : i32
      %get3A_232 = arith.index_cast %get3A_231 : i32 to index
      %get3A_233 = arith.index_cast %mul3A_163 : i32 to index
      %get3A_234 = tpu.vector_load %arg9[%get3A_232, %get3A_233] {strides = array<i32>} : memref<8x4096xf32, #tpu.memory_space<vmem>>, vector<1x16xf32>,
      %get3A_235 = vector.shape_cast %get3A_234 : vector<1x16xf32> to vector<16xf32>
      %mul3A_236 = arith.mulf %get3A_235, %get3A_10 : vector<16xf32>
      %add3A_237 = arith.addf %mul3A_236, %get3A_166 : vector<16xf32>
      %swap3A_238 = arith.constant 5 : i32
      %swap3A_239 = arith.index_cast %swap3A_238 : i32 to index
      %swap3A_240 = arith.index_cast %mul3A_163 : i32 to index
      %swap3A_241 = tpu.vector_load %arg9[%swap3A_239, %swap3A_240] {strides = array<i32>} : memref<8x4096xf32, #tpu.memory_space<vmem>>, vector<1x16xf32>,
      %swap3A_242 = vector.shape_cast %swap3A_241 : vector<1x16xf32> to vector<16xf32>
      %swap3A_243 = vector.shape_cast %add3A_237 : vector<16xf32> to vector<1x16xf32>
      tpu.vector_store %arg9[%swap3A_239, %swap3A_240], %swap3A_243 {strides = array<i32>} : memref<8x4096xf32, #tpu.memory_space<vmem>>, vector<1x16xf32>,
      %get3A_244 = arith.constant 6 : i32
      %get3A_245 = arith.index_cast %get3A_244 : i32 to index
      %get3A_246 = arith.index_cast %mul3A_163 : i32 to index
      %get3A_247 = tpu.vector_load %arg9[%get3A_245, %get3A_246] {strides = array<i32>} : memref<8x4096xf32, #tpu.memory_space<vmem>>, vector<1x16xf32>,
      %get3A_248 = vector.shape_cast %get3A_247 : vector<1x16xf32> to vector<16xf32>
      %mul3A_249 = arith.mulf %get3A_248, %get3A_10 : vector<16xf32>
      %add3A_250 = arith.addf %mul3A_249, %get3A_166 : vector<16xf32>
      %swap3A_251 = arith.constant 6 : i32
      %swap3A_252 = arith.index_cast %swap3A_251 : i32 to index
      %swap3A_253 = arith.index_cast %mul3A_163 : i32 to index
      %swap3A_254 = tpu.vector_load %arg9[%swap3A_252, %swap3A_253] {strides = array<i32>} : memref<8x4096xf32, #tpu.memory_space<vmem>>, vector<1x16xf32>,
      %swap3A_255 = vector.shape_cast %swap3A_254 : vector<1x16xf32> to vector<16xf32>
      %swap3A_256 = vector.shape_cast %add3A_250 : vector<16xf32> to vector<1x16xf32>
      tpu.vector_store %arg9[%swap3A_252, %swap3A_253], %swap3A_256 {strides = array<i32>} : memref<8x4096xf32, #tpu.memory_space<vmem>>, vector<1x16xf32>,
      %get3A_257 = arith.constant 7 : i32
      %get3A_258 = arith.index_cast %get3A_257 : i32 to index
      %get3A_259 = arith.index_cast %mul3A_163 : i32 to index
      %get3A_260 = tpu.vector_load %arg9[%get3A_258, %get3A_259] {strides = array<i32>} : memref<8x4096xf32, #tpu.memory_space<vmem>>, vector<1x16xf32>,
      %get3A_261 = vector.shape_cast %get3A_260 : vector<1x16xf32> to vector<16xf32>
      %mul3A_262 = arith.mulf %get3A_261, %get3A_10 : vector<16xf32>
      %add3A_263 = arith.addf %mul3A_262, %get3A_166 : vector<16xf32>
      %swap3A_264 = arith.constant 7 : i32
      %swap3A_265 = arith.index_cast %swap3A_264 : i32 to index
      %swap3A_266 = arith.index_cast %mul3A_163 : i32 to index
      %swap3A_267 = tpu.vector_load %arg9[%swap3A_265, %swap3A_266] {strides = array<i32>} : memref<8x4096xf32, #tpu.memory_space<vmem>>, vector<1x16xf32>,
      %swap3A_268 = vector.shape_cast %swap3A_267 : vector<1x16xf32> to vector<16xf32>
      %swap3A_269 = vector.shape_cast %add3A_263 : vector<16xf32> to vector<1x16xf32>
      tpu.vector_store %arg9[%swap3A_265, %swap3A_266], %swap3A_269 {strides = array<i32>} : memref<8x4096xf32, #tpu.memory_space<vmem>>, vector<1x16xf32>,
    }
    %scan3A_50 = arith.constant 256 : i32
    %add3A_51 = arith.constant 0 : i32
    %add3A_52 = arith.addi %mul3A_2, %add3A_51 : i32
    %dma_start3A_53 = arith.constant 0 : i32
    %dma_start3A_54 = tpu.memref_slice %arg8[%add3A_52, %dma_start3A_53] : memref<1280x4096xf32, #tpu.memory_space<hbm>> -> memref<8x4096xf32, #tpu.memory_space<hbm>>
    %dma_start3A_55 = arith.constant 0 : i32
    %dma_start3A_56 = tpu.memref_slice %arg8[%add3A_52, %dma_start3A_55] : memref<1280x4096xf32, #tpu.memory_space<hbm>> -> memref<8x4096xf32, #tpu.memory_space<hbm>>
    tpu.enqueue_dma source(%arg9 : memref<8x4096xf32, #tpu.memory_space<vmem>>) target(%dma_start3A_56 : memref<8x4096xf32, #tpu.memory_space<hbm>>) target_semaphore(%arg21 : memref<!tpu.dma_semaphore, #tpu.memory_space<semaphore_mem>>)
    %add3A_57 = arith.constant 2816 : i32
    %add3A_58 = arith.addi %add3A_57, %mul3A_2 : i32
    %add3A_59 = arith.constant 16 : i32
    %add3A_60 = arith.addi %add3A_58, %add3A_59 : i32
    %dma_start3A_61 = arith.constant 0 : i32
    %dma_start3A_62 = tpu.memref_slice %arg2[%add3A_60, %dma_start3A_61] : memref<4096x4096xf32, #tpu.memory_space<hbm>> -> memref<8x4096xf32, #tpu.memory_space<hbm>>
    %dma_start3A_63 = arith.constant 0 : i32
    %dma_start3A_64 = tpu.memref_slice %arg2[%add3A_60, %dma_start3A_63] : memref<4096x4096xf32, #tpu.memory_space<hbm>> -> memref<8x4096xf32, #tpu.memory_space<hbm>>
    tpu.enqueue_dma source(%dma_start3A_64 : memref<8x4096xf32, #tpu.memory_space<hbm>>) target(%arg11 : memref<8x4096xf32, #tpu.memory_space<vmem>>) target_semaphore(%arg20 : memref<!tpu.dma_semaphore, #tpu.memory_space<semaphore_mem>>)
    %dma_wait3A_65 = arith.constant 0 : i32
    %dma_wait3A_66 = tpu.memref_slice %arg2[%add3A_36, %dma_wait3A_65] : memref<4096x4096xf32, #tpu.memory_space<hbm>> -> memref<8x4096xf32, #tpu.memory_space<hbm>>
    %dma_wait3A_67 = arith.constant 0 : i32
    %dma_wait3A_68 = tpu.memref_slice %arg2[%add3A_36, %dma_wait3A_67] : memref<4096x4096xf32, #tpu.memory_space<hbm>> -> memref<8x4096xf32, #tpu.memory_space<hbm>>
    tpu.wait_dma2 semaphore(%arg19 : memref<!tpu.dma_semaphore, #tpu.memory_space<semaphore_mem>>) src(%dma_wait3A_68 : memref<8x4096xf32, #tpu.memory_space<hbm>>) dst(%arg10 : memref<8x4096xf32, #tpu.memory_space<vmem>>)
    %scan3A_69 = arith.constant 0 : i32
    %scan3A_70 = arith.constant 0 : i32
    %scan3A_71 = arith.constant 256 : i32
    %scan3A_72 = arith.addi %scan3A_70, %scan3A_71 : i32
    %scan3A_73 = arith.constant 1 : i32
    scf.for %scan3A_161 = %scan3A_70 to %scan3A_72 step %scan3A_73  : i32 {
      %mul3A_162 = arith.constant 16 : i32
      %mul3A_163 = arith.muli %scan3A_161, %mul3A_162 : i32
      %get3A_164 = arith.index_cast %mul3A_163 : i32 to index
      %get3A_165 = tpu.vector_load %arg12[%get3A_164] {strides = array<i32>} : memref<4096xf32, #tpu.memory_space<vmem>>, vector<16xf32>,
      %get3A_166 = vector.shape_cast %get3A_165 : vector<16xf32> to vector<16xf32>
      %get3A_167 = arith.constant 0 : i32
      %get3A_168 = arith.index_cast %get3A_167 : i32 to index
      %get3A_169 = arith.index_cast %mul3A_163 : i32 to index
      %get3A_170 = tpu.vector_load %arg10[%get3A_168, %get3A_169] {strides = array<i32>} : memref<8x4096xf32, #tpu.memory_space<vmem>>, vector<1x16xf32>,
      %get3A_171 = vector.shape_cast %get3A_170 : vector<1x16xf32> to vector<16xf32>
      %mul3A_172 = arith.mulf %get3A_171, %get3A_10 : vector<16xf32>
      %add3A_173 = arith.addf %mul3A_172, %get3A_166 : vector<16xf32>
      %swap3A = arith.constant 0 : i32
      %swap3A_174 = arith.index_cast %swap3A : i32 to index
      %swap3A_175 = arith.index_cast %mul3A_163 : i32 to index
      %swap3A_176 = tpu.vector_load %arg10[%swap3A_174, %swap3A_175] {strides = array<i32>} : memref<8x4096xf32, #tpu.memory_space<vmem>>, vector<1x16xf32>,
      %swap3A_177 = vector.shape_cast %swap3A_176 : vector<1x16xf32> to vector<16xf32>
      %swap3A_178 = vector.shape_cast %add3A_173 : vector<16xf32> to vector<1x16xf32>
      tpu.vector_store %arg10[%swap3A_174, %swap3A_175], %swap3A_178 {strides = array<i32>} : memref<8x4096xf32, #tpu.memory_space<vmem>>, vector<1x16xf32>,
      %get3A_179 = arith.constant 1 : i32
      %get3A_180 = arith.index_cast %get3A_179 : i32 to index
      %get3A_181 = arith.index_cast %mul3A_163 : i32 to index
      %get3A_182 = tpu.vector_load %arg10[%get3A_180, %get3A_181] {strides = array<i32>} : memref<8x4096xf32, #tpu.memory_space<vmem>>, vector<1x16xf32>,
      %get3A_183 = vector.shape_cast %get3A_182 : vector<1x16xf32> to vector<16xf32>
      %mul3A_184 = arith.mulf %get3A_183, %get3A_10 : vector<16xf32>
      %add3A_185 = arith.addf %mul3A_184, %get3A_166 : vector<16xf32>
      %swap3A_186 = arith.constant 1 : i32
      %swap3A_187 = arith.index_cast %swap3A_186 : i32 to index
      %swap3A_188 = arith.index_cast %mul3A_163 : i32 to index
      %swap3A_189 = tpu.vector_load %arg10[%swap3A_187, %swap3A_188] {strides = array<i32>} : memref<8x4096xf32, #tpu.memory_space<vmem>>, vector<1x16xf32>,
      %swap3A_190 = vector.shape_cast %swap3A_189 : vector<1x16xf32> to vector<16xf32>
      %swap3A_191 = vector.shape_cast %add3A_185 : vector<16xf32> to vector<1x16xf32>
      tpu.vector_store %arg10[%swap3A_187, %swap3A_188], %swap3A_191 {strides = array<i32>} : memref<8x4096xf32, #tpu.memory_space<vmem>>, vector<1x16xf32>,
      %get3A_192 = arith.constant 2 : i32
      %get3A_193 = arith.index_cast %get3A_192 : i32 to index
      %get3A_194 = arith.index_cast %mul3A_163 : i32 to index
      %get3A_195 = tpu.vector_load %arg10[%get3A_193, %get3A_194] {strides = array<i32>} : memref<8x4096xf32, #tpu.memory_space<vmem>>, vector<1x16xf32>,
      %get3A_196 = vector.shape_cast %get3A_195 : vector<1x16xf32> to vector<16xf32>
      %mul3A_197 = arith.mulf %get3A_196, %get3A_10 : vector<16xf32>
      %add3A_198 = arith.addf %mul3A_197, %get3A_166 : vector<16xf32>
      %swap3A_199 = arith.constant 2 : i32
      %swap3A_200 = arith.index_cast %swap3A_199 : i32 to index
      %swap3A_201 = arith.index_cast %mul3A_163 : i32 to index
      %swap3A_202 = tpu.vector_load %arg10[%swap3A_200, %swap3A_201] {strides = array<i32>} : memref<8x4096xf32, #tpu.memory_space<vmem>>, vector<1x16xf32>,
      %swap3A_203 = vector.shape_cast %swap3A_202 : vector<1x16xf32> to vector<16xf32>
      %swap3A_204 = vector.shape_cast %add3A_198 : vector<16xf32> to vector<1x16xf32>
      tpu.vector_store %arg10[%swap3A_200, %swap3A_201], %swap3A_204 {strides = array<i32>} : memref<8x4096xf32, #tpu.memory_space<vmem>>, vector<1x16xf32>,
      %get3A_205 = arith.constant 3 : i32
      %get3A_206 = arith.index_cast %get3A_205 : i32 to index
      %get3A_207 = arith.index_cast %mul3A_163 : i32 to index
      %get3A_208 = tpu.vector_load %arg10[%get3A_206, %get3A_207] {strides = array<i32>} : memref<8x4096xf32, #tpu.memory_space<vmem>>, vector<1x16xf32>,
      %get3A_209 = vector.shape_cast %get3A_208 : vector<1x16xf32> to vector<16xf32>
      %mul3A_210 = arith.mulf %get3A_209, %get3A_10 : vector<16xf32>
      %add3A_211 = arith.addf %mul3A_210, %get3A_166 : vector<16xf32>
      %swap3A_212 = arith.constant 3 : i32
      %swap3A_213 = arith.index_cast %swap3A_212 : i32 to index
      %swap3A_214 = arith.index_cast %mul3A_163 : i32 to index
      %swap3A_215 = tpu.vector_load %arg10[%swap3A_213, %swap3A_214] {strides = array<i32>} : memref<8x4096xf32, #tpu.memory_space<vmem>>, vector<1x16xf32>,
      %swap3A_216 = vector.shape_cast %swap3A_215 : vector<1x16xf32> to vector<16xf32>
      %swap3A_217 = vector.shape_cast %add3A_211 : vector<16xf32> to vector<1x16xf32>
      tpu.vector_store %arg10[%swap3A_213, %swap3A_214], %swap3A_217 {strides = array<i32>} : memref<8x4096xf32, #tpu.memory_space<vmem>>, vector<1x16xf32>,
      %get3A_218 = arith.constant 4 : i32
      %get3A_219 = arith.index_cast %get3A_218 : i32 to index
      %get3A_220 = arith.index_cast %mul3A_163 : i32 to index
      %get3A_221 = tpu.vector_load %arg10[%get3A_219, %get3A_220] {strides = array<i32>} : memref<8x4096xf32, #tpu.memory_space<vmem>>, vector<1x16xf32>,
      %get3A_222 = vector.shape_cast %get3A_221 : vector<1x16xf32> to vector<16xf32>
      %mul3A_223 = arith.mulf %get3A_222, %get3A_10 : vector<16xf32>
      %add3A_224 = arith.addf %mul3A_223, %get3A_166 : vector<16xf32>
      %swap3A_225 = arith.constant 4 : i32
      %swap3A_226 = arith.index_cast %swap3A_225 : i32 to index
      %swap3A_227 = arith.index_cast %mul3A_163 : i32 to index
      %swap3A_228 = tpu.vector_load %arg10[%swap3A_226, %swap3A_227] {strides = array<i32>} : memref<8x4096xf32, #tpu.memory_space<vmem>>, vector<1x16xf32>,
      %swap3A_229 = vector.shape_cast %swap3A_228 : vector<1x16xf32> to vector<16xf32>
      %swap3A_230 = vector.shape_cast %add3A_224 : vector<16xf32> to vector<1x16xf32>
      tpu.vector_store %arg10[%swap3A_226, %swap3A_227], %swap3A_230 {strides = array<i32>} : memref<8x4096xf32, #tpu.memory_space<vmem>>, vector<1x16xf32>,
      %get3A_231 = arith.constant 5 : i32
      %get3A_232 = arith.index_cast %get3A_231 : i32 to index
      %get3A_233 = arith.index_cast %mul3A_163 : i32 to index
      %get3A_234 = tpu.vector_load %arg10[%get3A_232, %get3A_233] {strides = array<i32>} : memref<8x4096xf32, #tpu.memory_space<vmem>>, vector<1x16xf32>,
      %get3A_235 = vector.shape_cast %get3A_234 : vector<1x16xf32> to vector<16xf32>
      %mul3A_236 = arith.mulf %get3A_235, %get3A_10 : vector<16xf32>
      %add3A_237 = arith.addf %mul3A_236, %get3A_166 : vector<16xf32>
      %swap3A_238 = arith.constant 5 : i32
      %swap3A_239 = arith.index_cast %swap3A_238 : i32 to index
      %swap3A_240 = arith.index_cast %mul3A_163 : i32 to index
      %swap3A_241 = tpu.vector_load %arg10[%swap3A_239, %swap3A_240] {strides = array<i32>} : memref<8x4096xf32, #tpu.memory_space<vmem>>, vector<1x16xf32>,
      %swap3A_242 = vector.shape_cast %swap3A_241 : vector<1x16xf32> to vector<16xf32>
      %swap3A_243 = vector.shape_cast %add3A_237 : vector<16xf32> to vector<1x16xf32>
      tpu.vector_store %arg10[%swap3A_239, %swap3A_240], %swap3A_243 {strides = array<i32>} : memref<8x4096xf32, #tpu.memory_space<vmem>>, vector<1x16xf32>,
      %get3A_244 = arith.constant 6 : i32
      %get3A_245 = arith.index_cast %get3A_244 : i32 to index
      %get3A_246 = arith.index_cast %mul3A_163 : i32 to index
      %get3A_247 = tpu.vector_load %arg10[%get3A_245, %get3A_246] {strides = array<i32>} : memref<8x4096xf32, #tpu.memory_space<vmem>>, vector<1x16xf32>,
      %get3A_248 = vector.shape_cast %get3A_247 : vector<1x16xf32> to vector<16xf32>
      %mul3A_249 = arith.mulf %get3A_248, %get3A_10 : vector<16xf32>
      %add3A_250 = arith.addf %mul3A_249, %get3A_166 : vector<16xf32>
      %swap3A_251 = arith.constant 6 : i32
      %swap3A_252 = arith.index_cast %swap3A_251 : i32 to index
      %swap3A_253 = arith.index_cast %mul3A_163 : i32 to index
      %swap3A_254 = tpu.vector_load %arg10[%swap3A_252, %swap3A_253] {strides = array<i32>} : memref<8x4096xf32, #tpu.memory_space<vmem>>, vector<1x16xf32>,
      %swap3A_255 = vector.shape_cast %swap3A_254 : vector<1x16xf32> to vector<16xf32>
      %swap3A_256 = vector.shape_cast %add3A_250 : vector<16xf32> to vector<1x16xf32>
      tpu.vector_store %arg10[%swap3A_252, %swap3A_253], %swap3A_256 {strides = array<i32>} : memref<8x4096xf32, #tpu.memory_space<vmem>>, vector<1x16xf32>,
      %get3A_257 = arith.constant 7 : i32
      %get3A_258 = arith.index_cast %get3A_257 : i32 to index
      %get3A_259 = arith.index_cast %mul3A_163 : i32 to index
      %get3A_260 = tpu.vector_load %arg10[%get3A_258, %get3A_259] {strides = array<i32>} : memref<8x4096xf32, #tpu.memory_space<vmem>>, vector<1x16xf32>,
      %get3A_261 = vector.shape_cast %get3A_260 : vector<1x16xf32> to vector<16xf32>
      %mul3A_262 = arith.mulf %get3A_261, %get3A_10 : vector<16xf32>
      %add3A_263 = arith.addf %mul3A_262, %get3A_166 : vector<16xf32>
      %swap3A_264 = arith.constant 7 : i32
      %swap3A_265 = arith.index_cast %swap3A_264 : i32 to index
      %swap3A_266 = arith.index_cast %mul3A_163 : i32 to index
      %swap3A_267 = tpu.vector_load %arg10[%swap3A_265, %swap3A_266] {strides = array<i32>} : memref<8x4096xf32, #tpu.memory_space<vmem>>, vector<1x16xf32>,
      %swap3A_268 = vector.shape_cast %swap3A_267 : vector<1x16xf32> to vector<16xf32>
      %swap3A_269 = vector.shape_cast %add3A_263 : vector<16xf32> to vector<1x16xf32>
      tpu.vector_store %arg10[%swap3A_265, %swap3A_266], %swap3A_269 {strides = array<i32>} : memref<8x4096xf32, #tpu.memory_space<vmem>>, vector<1x16xf32>,
    }
    %scan3A_74 = arith.constant 256 : i32
    %add3A_75 = arith.constant 8 : i32
    %add3A_76 = arith.addi %mul3A_2, %add3A_75 : i32
    %dma_start3A_77 = arith.constant 0 : i32
    %dma_start3A_78 = tpu.memref_slice %arg8[%add3A_76, %dma_start3A_77] : memref<1280x4096xf32, #tpu.memory_space<hbm>> -> memref<8x4096xf32, #tpu.memory_space<hbm>>
    %dma_start3A_79 = arith.constant 0 : i32
    %dma_start3A_80 = tpu.memref_slice %arg8[%add3A_76, %dma_start3A_79] : memref<1280x4096xf32, #tpu.memory_space<hbm>> -> memref<8x4096xf32, #tpu.memory_space<hbm>>
    tpu.enqueue_dma source(%arg10 : memref<8x4096xf32, #tpu.memory_space<vmem>>) target(%dma_start3A_80 : memref<8x4096xf32, #tpu.memory_space<hbm>>) target_semaphore(%arg22 : memref<!tpu.dma_semaphore, #tpu.memory_space<semaphore_mem>>)
    %dma_wait3A_81 = arith.constant 0 : i32
    %dma_wait3A_82 = tpu.memref_slice %arg8[%add3A_52, %dma_wait3A_81] : memref<1280x4096xf32, #tpu.memory_space<hbm>> -> memref<8x4096xf32, #tpu.memory_space<hbm>>
    %dma_wait3A_83 = arith.constant 0 : i32
    %dma_wait3A_84 = tpu.memref_slice %arg8[%add3A_52, %dma_wait3A_83] : memref<1280x4096xf32, #tpu.memory_space<hbm>> -> memref<8x4096xf32, #tpu.memory_space<hbm>>
    tpu.wait_dma2 semaphore(%arg21 : memref<!tpu.dma_semaphore, #tpu.memory_space<semaphore_mem>>) src(%arg9 : memref<8x4096xf32, #tpu.memory_space<vmem>>) dst(%dma_wait3A_84 : memref<8x4096xf32, #tpu.memory_space<hbm>>)
    %add3A_85 = arith.constant 2816 : i32
    %add3A_86 = arith.addi %add3A_85, %mul3A_2 : i32
    %add3A_87 = arith.constant 24 : i32
    %add3A_88 = arith.addi %add3A_86, %add3A_87 : i32
    %dma_start3A_89 = arith.constant 0 : i32
    %dma_start3A_90 = tpu.memref_slice %arg2[%add3A_88, %dma_start3A_89] : memref<4096x4096xf32, #tpu.memory_space<hbm>> -> memref<8x4096xf32, #tpu.memory_space<hbm>>
    %dma_start3A_91 = arith.constant 0 : i32
    %dma_start3A_92 = tpu.memref_slice %arg2[%add3A_88, %dma_start3A_91] : memref<4096x4096xf32, #tpu.memory_space<hbm>> -> memref<8x4096xf32, #tpu.memory_space<hbm>>
    tpu.enqueue_dma source(%dma_start3A_92 : memref<8x4096xf32, #tpu.memory_space<hbm>>) target(%arg9 : memref<8x4096xf32, #tpu.memory_space<vmem>>) target_semaphore(%arg18 : memref<!tpu.dma_semaphore, #tpu.memory_space<semaphore_mem>>)
    %dma_wait3A_93 = arith.constant 0 : i32
    %dma_wait3A_94 = tpu.memref_slice %arg2[%add3A_60, %dma_wait3A_93] : memref<4096x4096xf32, #tpu.memory_space<hbm>> -> memref<8x4096xf32, #tpu.memory_space<hbm>>
    %dma_wait3A_95 = arith.constant 0 : i32
    %dma_wait3A_96 = tpu.memref_slice %arg2[%add3A_60, %dma_wait3A_95] : memref<4096x4096xf32, #tpu.memory_space<hbm>> -> memref<8x4096xf32, #tpu.memory_space<hbm>>
    tpu.wait_dma2 semaphore(%arg20 : memref<!tpu.dma_semaphore, #tpu.memory_space<semaphore_mem>>) src(%dma_wait3A_96 : memref<8x4096xf32, #tpu.memory_space<hbm>>) dst(%arg11 : memref<8x4096xf32, #tpu.memory_space<vmem>>)
    %scan3A_97 = arith.constant 0 : i32
    %scan3A_98 = arith.constant 0 : i32
    %scan3A_99 = arith.constant 256 : i32
    %scan3A_100 = arith.addi %scan3A_98, %scan3A_99 : i32
    %scan3A_101 = arith.constant 1 : i32
    scf.for %scan3A_161 = %scan3A_98 to %scan3A_100 step %scan3A_101  : i32 {
      %mul3A_162 = arith.constant 16 : i32
      %mul3A_163 = arith.muli %scan3A_161, %mul3A_162 : i32
      %get3A_164 = arith.index_cast %mul3A_163 : i32 to index
      %get3A_165 = tpu.vector_load %arg12[%get3A_164] {strides = array<i32>} : memref<4096xf32, #tpu.memory_space<vmem>>, vector<16xf32>,
      %get3A_166 = vector.shape_cast %get3A_165 : vector<16xf32> to vector<16xf32>
      %get3A_167 = arith.constant 0 : i32
      %get3A_168 = arith.index_cast %get3A_167 : i32 to index
      %get3A_169 = arith.index_cast %mul3A_163 : i32 to index
      %get3A_170 = tpu.vector_load %arg11[%get3A_168, %get3A_169] {strides = array<i32>} : memref<8x4096xf32, #tpu.memory_space<vmem>>, vector<1x16xf32>,
      %get3A_171 = vector.shape_cast %get3A_170 : vector<1x16xf32> to vector<16xf32>
      %mul3A_172 = arith.mulf %get3A_171, %get3A_10 : vector<16xf32>
      %add3A_173 = arith.addf %mul3A_172, %get3A_166 : vector<16xf32>
      %swap3A = arith.constant 0 : i32
      %swap3A_174 = arith.index_cast %swap3A : i32 to index
      %swap3A_175 = arith.index_cast %mul3A_163 : i32 to index
      %swap3A_176 = tpu.vector_load %arg11[%swap3A_174, %swap3A_175] {strides = array<i32>} : memref<8x4096xf32, #tpu.memory_space<vmem>>, vector<1x16xf32>,
      %swap3A_177 = vector.shape_cast %swap3A_176 : vector<1x16xf32> to vector<16xf32>
      %swap3A_178 = vector.shape_cast %add3A_173 : vector<16xf32> to vector<1x16xf32>
      tpu.vector_store %arg11[%swap3A_174, %swap3A_175], %swap3A_178 {strides = array<i32>} : memref<8x4096xf32, #tpu.memory_space<vmem>>, vector<1x16xf32>,
      %get3A_179 = arith.constant 1 : i32
      %get3A_180 = arith.index_cast %get3A_179 : i32 to index
      %get3A_181 = arith.index_cast %mul3A_163 : i32 to index
      %get3A_182 = tpu.vector_load %arg11[%get3A_180, %get3A_181] {strides = array<i32>} : memref<8x4096xf32, #tpu.memory_space<vmem>>, vector<1x16xf32>,
      %get3A_183 = vector.shape_cast %get3A_182 : vector<1x16xf32> to vector<16xf32>
      %mul3A_184 = arith.mulf %get3A_183, %get3A_10 : vector<16xf32>
      %add3A_185 = arith.addf %mul3A_184, %get3A_166 : vector<16xf32>
      %swap3A_186 = arith.constant 1 : i32
      %swap3A_187 = arith.index_cast %swap3A_186 : i32 to index
      %swap3A_188 = arith.index_cast %mul3A_163 : i32 to index
      %swap3A_189 = tpu.vector_load %arg11[%swap3A_187, %swap3A_188] {strides = array<i32>} : memref<8x4096xf32, #tpu.memory_space<vmem>>, vector<1x16xf32>,
      %swap3A_190 = vector.shape_cast %swap3A_189 : vector<1x16xf32> to vector<16xf32>
      %swap3A_191 = vector.shape_cast %add3A_185 : vector<16xf32> to vector<1x16xf32>
      tpu.vector_store %arg11[%swap3A_187, %swap3A_188], %swap3A_191 {strides = array<i32>} : memref<8x4096xf32, #tpu.memory_space<vmem>>, vector<1x16xf32>,
      %get3A_192 = arith.constant 2 : i32
      %get3A_193 = arith.index_cast %get3A_192 : i32 to index
      %get3A_194 = arith.index_cast %mul3A_163 : i32 to index
      %get3A_195 = tpu.vector_load %arg11[%get3A_193, %get3A_194] {strides = array<i32>} : memref<8x4096xf32, #tpu.memory_space<vmem>>, vector<1x16xf32>,
      %get3A_196 = vector.shape_cast %get3A_195 : vector<1x16xf32> to vector<16xf32>
      %mul3A_197 = arith.mulf %get3A_196, %get3A_10 : vector<16xf32>
      %add3A_198 = arith.addf %mul3A_197, %get3A_166 : vector<16xf32>
      %swap3A_199 = arith.constant 2 : i32
      %swap3A_200 = arith.index_cast %swap3A_199 : i32 to index
      %swap3A_201 = arith.index_cast %mul3A_163 : i32 to index
      %swap3A_202 = tpu.vector_load %arg11[%swap3A_200, %swap3A_201] {strides = array<i32>} : memref<8x4096xf32, #tpu.memory_space<vmem>>, vector<1x16xf32>,
      %swap3A_203 = vector.shape_cast %swap3A_202 : vector<1x16xf32> to vector<16xf32>
      %swap3A_204 = vector.shape_cast %add3A_198 : vector<16xf32> to vector<1x16xf32>
      tpu.vector_store %arg11[%swap3A_200, %swap3A_201], %swap3A_204 {strides = array<i32>} : memref<8x4096xf32, #tpu.memory_space<vmem>>, vector<1x16xf32>,
      %get3A_205 = arith.constant 3 : i32
      %get3A_206 = arith.index_cast %get3A_205 : i32 to index
      %get3A_207 = arith.index_cast %mul3A_163 : i32 to index
      %get3A_208 = tpu.vector_load %arg11[%get3A_206, %get3A_207] {strides = array<i32>} : memref<8x4096xf32, #tpu.memory_space<vmem>>, vector<1x16xf32>,
      %get3A_209 = vector.shape_cast %get3A_208 : vector<1x16xf32> to vector<16xf32>
      %mul3A_210 = arith.mulf %get3A_209, %get3A_10 : vector<16xf32>
      %add3A_211 = arith.addf %mul3A_210, %get3A_166 : vector<16xf32>
      %swap3A_212 = arith.constant 3 : i32
      %swap3A_213 = arith.index_cast %swap3A_212 : i32 to index
      %swap3A_214 = arith.index_cast %mul3A_163 : i32 to index
      %swap3A_215 = tpu.vector_load %arg11[%swap3A_213, %swap3A_214] {strides = array<i32>} : memref<8x4096xf32, #tpu.memory_space<vmem>>, vector<1x16xf32>,
      %swap3A_216 = vector.shape_cast %swap3A_215 : vector<1x16xf32> to vector<16xf32>
      %swap3A_217 = vector.shape_cast %add3A_211 : vector<16xf32> to vector<1x16xf32>
      tpu.vector_store %arg11[%swap3A_213, %swap3A_214], %swap3A_217 {strides = array<i32>} : memref<8x4096xf32, #tpu.memory_space<vmem>>, vector<1x16xf32>,
      %get3A_218 = arith.constant 4 : i32
      %get3A_219 = arith.index_cast %get3A_218 : i32 to index
      %get3A_220 = arith.index_cast %mul3A_163 : i32 to index
      %get3A_221 = tpu.vector_load %arg11[%get3A_219, %get3A_220] {strides = array<i32>} : memref<8x4096xf32, #tpu.memory_space<vmem>>, vector<1x16xf32>,
      %get3A_222 = vector.shape_cast %get3A_221 : vector<1x16xf32> to vector<16xf32>
      %mul3A_223 = arith.mulf %get3A_222, %get3A_10 : vector<16xf32>
      %add3A_224 = arith.addf %mul3A_223, %get3A_166 : vector<16xf32>
      %swap3A_225 = arith.constant 4 : i32
      %swap3A_226 = arith.index_cast %swap3A_225 : i32 to index
      %swap3A_227 = arith.index_cast %mul3A_163 : i32 to index
      %swap3A_228 = tpu.vector_load %arg11[%swap3A_226, %swap3A_227] {strides = array<i32>} : memref<8x4096xf32, #tpu.memory_space<vmem>>, vector<1x16xf32>,
      %swap3A_229 = vector.shape_cast %swap3A_228 : vector<1x16xf32> to vector<16xf32>
      %swap3A_230 = vector.shape_cast %add3A_224 : vector<16xf32> to vector<1x16xf32>
      tpu.vector_store %arg11[%swap3A_226, %swap3A_227], %swap3A_230 {strides = array<i32>} : memref<8x4096xf32, #tpu.memory_space<vmem>>, vector<1x16xf32>,
      %get3A_231 = arith.constant 5 : i32
      %get3A_232 = arith.index_cast %get3A_231 : i32 to index
      %get3A_233 = arith.index_cast %mul3A_163 : i32 to index
      %get3A_234 = tpu.vector_load %arg11[%get3A_232, %get3A_233] {strides = array<i32>} : memref<8x4096xf32, #tpu.memory_space<vmem>>, vector<1x16xf32>,
      %get3A_235 = vector.shape_cast %get3A_234 : vector<1x16xf32> to vector<16xf32>
      %mul3A_236 = arith.mulf %get3A_235, %get3A_10 : vector<16xf32>
      %add3A_237 = arith.addf %mul3A_236, %get3A_166 : vector<16xf32>
      %swap3A_238 = arith.constant 5 : i32
      %swap3A_239 = arith.index_cast %swap3A_238 : i32 to index
      %swap3A_240 = arith.index_cast %mul3A_163 : i32 to index
      %swap3A_241 = tpu.vector_load %arg11[%swap3A_239, %swap3A_240] {strides = array<i32>} : memref<8x4096xf32, #tpu.memory_space<vmem>>, vector<1x16xf32>,
      %swap3A_242 = vector.shape_cast %swap3A_241 : vector<1x16xf32> to vector<16xf32>
      %swap3A_243 = vector.shape_cast %add3A_237 : vector<16xf32> to vector<1x16xf32>
      tpu.vector_store %arg11[%swap3A_239, %swap3A_240], %swap3A_243 {strides = array<i32>} : memref<8x4096xf32, #tpu.memory_space<vmem>>, vector<1x16xf32>,
      %get3A_244 = arith.constant 6 : i32
      %get3A_245 = arith.index_cast %get3A_244 : i32 to index
      %get3A_246 = arith.index_cast %mul3A_163 : i32 to index
      %get3A_247 = tpu.vector_load %arg11[%get3A_245, %get3A_246] {strides = array<i32>} : memref<8x4096xf32, #tpu.memory_space<vmem>>, vector<1x16xf32>,
      %get3A_248 = vector.shape_cast %get3A_247 : vector<1x16xf32> to vector<16xf32>
      %mul3A_249 = arith.mulf %get3A_248, %get3A_10 : vector<16xf32>
      %add3A_250 = arith.addf %mul3A_249, %get3A_166 : vector<16xf32>
      %swap3A_251 = arith.constant 6 : i32
      %swap3A_252 = arith.index_cast %swap3A_251 : i32 to index
      %swap3A_253 = arith.index_cast %mul3A_163 : i32 to index
      %swap3A_254 = tpu.vector_load %arg11[%swap3A_252, %swap3A_253] {strides = array<i32>} : memref<8x4096xf32, #tpu.memory_space<vmem>>, vector<1x16xf32>,
      %swap3A_255 = vector.shape_cast %swap3A_254 : vector<1x16xf32> to vector<16xf32>
      %swap3A_256 = vector.shape_cast %add3A_250 : vector<16xf32> to vector<1x16xf32>
      tpu.vector_store %arg11[%swap3A_252, %swap3A_253], %swap3A_256 {strides = array<i32>} : memref<8x4096xf32, #tpu.memory_space<vmem>>, vector<1x16xf32>,
      %get3A_257 = arith.constant 7 : i32
      %get3A_258 = arith.index_cast %get3A_257 : i32 to index
      %get3A_259 = arith.index_cast %mul3A_163 : i32 to index
      %get3A_260 = tpu.vector_load %arg11[%get3A_258, %get3A_259] {strides = array<i32>} : memref<8x4096xf32, #tpu.memory_space<vmem>>, vector<1x16xf32>,
      %get3A_261 = vector.shape_cast %get3A_260 : vector<1x16xf32> to vector<16xf32>
      %mul3A_262 = arith.mulf %get3A_261, %get3A_10 : vector<16xf32>
      %add3A_263 = arith.addf %mul3A_262, %get3A_166 : vector<16xf32>
      %swap3A_264 = arith.constant 7 : i32
      %swap3A_265 = arith.index_cast %swap3A_264 : i32 to index
      %swap3A_266 = arith.index_cast %mul3A_163 : i32 to index
      %swap3A_267 = tpu.vector_load %arg11[%swap3A_265, %swap3A_266] {strides = array<i32>} : memref<8x4096xf32, #tpu.memory_space<vmem>>, vector<1x16xf32>,
      %swap3A_268 = vector.shape_cast %swap3A_267 : vector<1x16xf32> to vector<16xf32>
      %swap3A_269 = vector.shape_cast %add3A_263 : vector<16xf32> to vector<1x16xf32>
      tpu.vector_store %arg11[%swap3A_265, %swap3A_266], %swap3A_269 {strides = array<i32>} : memref<8x4096xf32, #tpu.memory_space<vmem>>, vector<1x16xf32>,
    }
    %scan3A_102 = arith.constant 256 : i32
    %add3A_103 = arith.constant 16 : i32
    %add3A_104 = arith.addi %mul3A_2, %add3A_103 : i32
    %dma_start3A_105 = arith.constant 0 : i32
    %dma_start3A_106 = tpu.memref_slice %arg8[%add3A_104, %dma_start3A_105] : memref<1280x4096xf32, #tpu.memory_space<hbm>> -> memref<8x4096xf32, #tpu.memory_space<hbm>>
    %dma_start3A_107 = arith.constant 0 : i32
    %dma_start3A_108 = tpu.memref_slice %arg8[%add3A_104, %dma_start3A_107] : memref<1280x4096xf32, #tpu.memory_space<hbm>> -> memref<8x4096xf32, #tpu.memory_space<hbm>>
    tpu.enqueue_dma source(%arg11 : memref<8x4096xf32, #tpu.memory_space<vmem>>) target(%dma_start3A_108 : memref<8x4096xf32, #tpu.memory_space<hbm>>) target_semaphore(%arg23 : memref<!tpu.dma_semaphore, #tpu.memory_space<semaphore_mem>>)
    %dma_wait3A_109 = arith.constant 0 : i32
    %dma_wait3A_110 = tpu.memref_slice %arg8[%add3A_76, %dma_wait3A_109] : memref<1280x4096xf32, #tpu.memory_space<hbm>> -> memref<8x4096xf32, #tpu.memory_space<hbm>>
    %dma_wait3A_111 = arith.constant 0 : i32
    %dma_wait3A_112 = tpu.memref_slice %arg8[%add3A_76, %dma_wait3A_111] : memref<1280x4096xf32, #tpu.memory_space<hbm>> -> memref<8x4096xf32, #tpu.memory_space<hbm>>
    tpu.wait_dma2 semaphore(%arg22 : memref<!tpu.dma_semaphore, #tpu.memory_space<semaphore_mem>>) src(%arg10 : memref<8x4096xf32, #tpu.memory_space<vmem>>) dst(%dma_wait3A_112 : memref<8x4096xf32, #tpu.memory_space<hbm>>)
    %add3A_113 = arith.constant 2816 : i32
    %add3A_114 = arith.addi %add3A_113, %mul3A_2 : i32
    %add3A_115 = arith.constant 32 : i32
    %add3A_116 = arith.addi %add3A_114, %add3A_115 : i32
    %dma_start3A_117 = arith.constant 0 : i32
    %dma_start3A_118 = tpu.memref_slice %arg2[%add3A_116, %dma_start3A_117] : memref<4096x4096xf32, #tpu.memory_space<hbm>> -> memref<8x4096xf32, #tpu.memory_space<hbm>>
    %dma_start3A_119 = arith.constant 0 : i32
    %dma_start3A_120 = tpu.memref_slice %arg2[%add3A_116, %dma_start3A_119] : memref<4096x4096xf32, #tpu.memory_space<hbm>> -> memref<8x4096xf32, #tpu.memory_space<hbm>>
    tpu.enqueue_dma source(%dma_start3A_120 : memref<8x4096xf32, #tpu.memory_space<hbm>>) target(%arg10 : memref<8x4096xf32, #tpu.memory_space<vmem>>) target_semaphore(%arg19 : memref<!tpu.dma_semaphore, #tpu.memory_space<semaphore_mem>>)
    %dma_wait3A_121 = arith.constant 0 : i32
    %dma_wait3A_122 = tpu.memref_slice %arg2[%add3A_88, %dma_wait3A_121] : memref<4096x4096xf32, #tpu.memory_space<hbm>> -> memref<8x4096xf32, #tpu.memory_space<hbm>>
    %dma_wait3A_123 = arith.constant 0 : i32
    %dma_wait3A_124 = tpu.memref_slice %arg2[%add3A_88, %dma_wait3A_123] : memref<4096x4096xf32, #tpu.memory_space<hbm>> -> memref<8x4096xf32, #tpu.memory_space<hbm>>
    tpu.wait_dma2 semaphore(%arg18 : memref<!tpu.dma_semaphore, #tpu.memory_space<semaphore_mem>>) src(%dma_wait3A_124 : memref<8x4096xf32, #tpu.memory_space<hbm>>) dst(%arg9 : memref<8x4096xf32, #tpu.memory_space<vmem>>)
    %scan3A_125 = arith.constant 0 : i32
    %scan3A_126 = arith.constant 0 : i32
    %scan3A_127 = arith.constant 256 : i32
    %scan3A_128 = arith.addi %scan3A_126, %scan3A_127 : i32
    %scan3A_129 = arith.constant 1 : i32
    scf.for %scan3A_161 = %scan3A_126 to %scan3A_128 step %scan3A_129  : i32 {
      %mul3A_162 = arith.constant 16 : i32
      %mul3A_163 = arith.muli %scan3A_161, %mul3A_162 : i32
      %get3A_164 = arith.index_cast %mul3A_163 : i32 to index
      %get3A_165 = tpu.vector_load %arg12[%get3A_164] {strides = array<i32>} : memref<4096xf32, #tpu.memory_space<vmem>>, vector<16xf32>,
      %get3A_166 = vector.shape_cast %get3A_165 : vector<16xf32> to vector<16xf32>
      %get3A_167 = arith.constant 0 : i32
      %get3A_168 = arith.index_cast %get3A_167 : i32 to index
      %get3A_169 = arith.index_cast %mul3A_163 : i32 to index
      %get3A_170 = tpu.vector_load %arg9[%get3A_168, %get3A_169] {strides = array<i32>} : memref<8x4096xf32, #tpu.memory_space<vmem>>, vector<1x16xf32>,
      %get3A_171 = vector.shape_cast %get3A_170 : vector<1x16xf32> to vector<16xf32>
      %mul3A_172 = arith.mulf %get3A_171, %get3A_10 : vector<16xf32>
      %add3A_173 = arith.addf %mul3A_172, %get3A_166 : vector<16xf32>
      %swap3A = arith.constant 0 : i32
      %swap3A_174 = arith.index_cast %swap3A : i32 to index
      %swap3A_175 = arith.index_cast %mul3A_163 : i32 to index
      %swap3A_176 = tpu.vector_load %arg9[%swap3A_174, %swap3A_175] {strides = array<i32>} : memref<8x4096xf32, #tpu.memory_space<vmem>>, vector<1x16xf32>,
      %swap3A_177 = vector.shape_cast %swap3A_176 : vector<1x16xf32> to vector<16xf32>
      %swap3A_178 = vector.shape_cast %add3A_173 : vector<16xf32> to vector<1x16xf32>
      tpu.vector_store %arg9[%swap3A_174, %swap3A_175], %swap3A_178 {strides = array<i32>} : memref<8x4096xf32, #tpu.memory_space<vmem>>, vector<1x16xf32>,
      %get3A_179 = arith.constant 1 : i32
      %get3A_180 = arith.index_cast %get3A_179 : i32 to index
      %get3A_181 = arith.index_cast %mul3A_163 : i32 to index
      %get3A_182 = tpu.vector_load %arg9[%get3A_180, %get3A_181] {strides = array<i32>} : memref<8x4096xf32, #tpu.memory_space<vmem>>, vector<1x16xf32>,
      %get3A_183 = vector.shape_cast %get3A_182 : vector<1x16xf32> to vector<16xf32>
      %mul3A_184 = arith.mulf %get3A_183, %get3A_10 : vector<16xf32>
      %add3A_185 = arith.addf %mul3A_184, %get3A_166 : vector<16xf32>
      %swap3A_186 = arith.constant 1 : i32
      %swap3A_187 = arith.index_cast %swap3A_186 : i32 to index
      %swap3A_188 = arith.index_cast %mul3A_163 : i32 to index
      %swap3A_189 = tpu.vector_load %arg9[%swap3A_187, %swap3A_188] {strides = array<i32>} : memref<8x4096xf32, #tpu.memory_space<vmem>>, vector<1x16xf32>,
      %swap3A_190 = vector.shape_cast %swap3A_189 : vector<1x16xf32> to vector<16xf32>
      %swap3A_191 = vector.shape_cast %add3A_185 : vector<16xf32> to vector<1x16xf32>
      tpu.vector_store %arg9[%swap3A_187, %swap3A_188], %swap3A_191 {strides = array<i32>} : memref<8x4096xf32, #tpu.memory_space<vmem>>, vector<1x16xf32>,
      %get3A_192 = arith.constant 2 : i32
      %get3A_193 = arith.index_cast %get3A_192 : i32 to index
      %get3A_194 = arith.index_cast %mul3A_163 : i32 to index
      %get3A_195 = tpu.vector_load %arg9[%get3A_193, %get3A_194] {strides = array<i32>} : memref<8x4096xf32, #tpu.memory_space<vmem>>, vector<1x16xf32>,
      %get3A_196 = vector.shape_cast %get3A_195 : vector<1x16xf32> to vector<16xf32>
      %mul3A_197 = arith.mulf %get3A_196, %get3A_10 : vector<16xf32>
      %add3A_198 = arith.addf %mul3A_197, %get3A_166 : vector<16xf32>
      %swap3A_199 = arith.constant 2 : i32
      %swap3A_200 = arith.index_cast %swap3A_199 : i32 to index
      %swap3A_201 = arith.index_cast %mul3A_163 : i32 to index
      %swap3A_202 = tpu.vector_load %arg9[%swap3A_200, %swap3A_201] {strides = array<i32>} : memref<8x4096xf32, #tpu.memory_space<vmem>>, vector<1x16xf32>,
      %swap3A_203 = vector.shape_cast %swap3A_202 : vector<1x16xf32> to vector<16xf32>
      %swap3A_204 = vector.shape_cast %add3A_198 : vector<16xf32> to vector<1x16xf32>
      tpu.vector_store %arg9[%swap3A_200, %swap3A_201], %swap3A_204 {strides = array<i32>} : memref<8x4096xf32, #tpu.memory_space<vmem>>, vector<1x16xf32>,
      %get3A_205 = arith.constant 3 : i32
      %get3A_206 = arith.index_cast %get3A_205 : i32 to index
      %get3A_207 = arith.index_cast %mul3A_163 : i32 to index
      %get3A_208 = tpu.vector_load %arg9[%get3A_206, %get3A_207] {strides = array<i32>} : memref<8x4096xf32, #tpu.memory_space<vmem>>, vector<1x16xf32>,
      %get3A_209 = vector.shape_cast %get3A_208 : vector<1x16xf32> to vector<16xf32>
      %mul3A_210 = arith.mulf %get3A_209, %get3A_10 : vector<16xf32>
      %add3A_211 = arith.addf %mul3A_210, %get3A_166 : vector<16xf32>
      %swap3A_212 = arith.constant 3 : i32
      %swap3A_213 = arith.index_cast %swap3A_212 : i32 to index
      %swap3A_214 = arith.index_cast %mul3A_163 : i32 to index
      %swap3A_215 = tpu.vector_load %arg9[%swap3A_213, %swap3A_214] {strides = array<i32>} : memref<8x4096xf32, #tpu.memory_space<vmem>>, vector<1x16xf32>,
      %swap3A_216 = vector.shape_cast %swap3A_215 : vector<1x16xf32> to vector<16xf32>
      %swap3A_217 = vector.shape_cast %add3A_211 : vector<16xf32> to vector<1x16xf32>
      tpu.vector_store %arg9[%swap3A_213, %swap3A_214], %swap3A_217 {strides = array<i32>} : memref<8x4096xf32, #tpu.memory_space<vmem>>, vector<1x16xf32>,
      %get3A_218 = arith.constant 4 : i32
      %get3A_219 = arith.index_cast %get3A_218 : i32 to index
      %get3A_220 = arith.index_cast %mul3A_163 : i32 to index
      %get3A_221 = tpu.vector_load %arg9[%get3A_219, %get3A_220] {strides = array<i32>} : memref<8x4096xf32, #tpu.memory_space<vmem>>, vector<1x16xf32>,
      %get3A_222 = vector.shape_cast %get3A_221 : vector<1x16xf32> to vector<16xf32>
      %mul3A_223 = arith.mulf %get3A_222, %get3A_10 : vector<16xf32>
      %add3A_224 = arith.addf %mul3A_223, %get3A_166 : vector<16xf32>
      %swap3A_225 = arith.constant 4 : i32
      %swap3A_226 = arith.index_cast %swap3A_225 : i32 to index
      %swap3A_227 = arith.index_cast %mul3A_163 : i32 to index
      %swap3A_228 = tpu.vector_load %arg9[%swap3A_226, %swap3A_227] {strides = array<i32>} : memref<8x4096xf32, #tpu.memory_space<vmem>>, vector<1x16xf32>,
      %swap3A_229 = vector.shape_cast %swap3A_228 : vector<1x16xf32> to vector<16xf32>
      %swap3A_230 = vector.shape_cast %add3A_224 : vector<16xf32> to vector<1x16xf32>
      tpu.vector_store %arg9[%swap3A_226, %swap3A_227], %swap3A_230 {strides = array<i32>} : memref<8x4096xf32, #tpu.memory_space<vmem>>, vector<1x16xf32>,
      %get3A_231 = arith.constant 5 : i32
      %get3A_232 = arith.index_cast %get3A_231 : i32 to index
      %get3A_233 = arith.index_cast %mul3A_163 : i32 to index
      %get3A_234 = tpu.vector_load %arg9[%get3A_232, %get3A_233] {strides = array<i32>} : memref<8x4096xf32, #tpu.memory_space<vmem>>, vector<1x16xf32>,
      %get3A_235 = vector.shape_cast %get3A_234 : vector<1x16xf32> to vector<16xf32>
      %mul3A_236 = arith.mulf %get3A_235, %get3A_10 : vector<16xf32>
      %add3A_237 = arith.addf %mul3A_236, %get3A_166 : vector<16xf32>
      %swap3A_238 = arith.constant 5 : i32
      %swap3A_239 = arith.index_cast %swap3A_238 : i32 to index
      %swap3A_240 = arith.index_cast %mul3A_163 : i32 to index
      %swap3A_241 = tpu.vector_load %arg9[%swap3A_239, %swap3A_240] {strides = array<i32>} : memref<8x4096xf32, #tpu.memory_space<vmem>>, vector<1x16xf32>,
      %swap3A_242 = vector.shape_cast %swap3A_241 : vector<1x16xf32> to vector<16xf32>
      %swap3A_243 = vector.shape_cast %add3A_237 : vector<16xf32> to vector<1x16xf32>
      tpu.vector_store %arg9[%swap3A_239, %swap3A_240], %swap3A_243 {strides = array<i32>} : memref<8x4096xf32, #tpu.memory_space<vmem>>, vector<1x16xf32>,
      %get3A_244 = arith.constant 6 : i32
      %get3A_245 = arith.index_cast %get3A_244 : i32 to index
      %get3A_246 = arith.index_cast %mul3A_163 : i32 to index
      %get3A_247 = tpu.vector_load %arg9[%get3A_245, %get3A_246] {strides = array<i32>} : memref<8x4096xf32, #tpu.memory_space<vmem>>, vector<1x16xf32>,
      %get3A_248 = vector.shape_cast %get3A_247 : vector<1x16xf32> to vector<16xf32>
      %mul3A_249 = arith.mulf %get3A_248, %get3A_10 : vector<16xf32>
      %add3A_250 = arith.addf %mul3A_249, %get3A_166 : vector<16xf32>
      %swap3A_251 = arith.constant 6 : i32
      %swap3A_252 = arith.index_cast %swap3A_251 : i32 to index
      %swap3A_253 = arith.index_cast %mul3A_163 : i32 to index
      %swap3A_254 = tpu.vector_load %arg9[%swap3A_252, %swap3A_253] {strides = array<i32>} : memref<8x4096xf32, #tpu.memory_space<vmem>>, vector<1x16xf32>,
      %swap3A_255 = vector.shape_cast %swap3A_254 : vector<1x16xf32> to vector<16xf32>
      %swap3A_256 = vector.shape_cast %add3A_250 : vector<16xf32> to vector<1x16xf32>
      tpu.vector_store %arg9[%swap3A_252, %swap3A_253], %swap3A_256 {strides = array<i32>} : memref<8x4096xf32, #tpu.memory_space<vmem>>, vector<1x16xf32>,
      %get3A_257 = arith.constant 7 : i32
      %get3A_258 = arith.index_cast %get3A_257 : i32 to index
      %get3A_259 = arith.index_cast %mul3A_163 : i32 to index
      %get3A_260 = tpu.vector_load %arg9[%get3A_258, %get3A_259] {strides = array<i32>} : memref<8x4096xf32, #tpu.memory_space<vmem>>, vector<1x16xf32>,
      %get3A_261 = vector.shape_cast %get3A_260 : vector<1x16xf32> to vector<16xf32>
      %mul3A_262 = arith.mulf %get3A_261, %get3A_10 : vector<16xf32>
      %add3A_263 = arith.addf %mul3A_262, %get3A_166 : vector<16xf32>
      %swap3A_264 = arith.constant 7 : i32
      %swap3A_265 = arith.index_cast %swap3A_264 : i32 to index
      %swap3A_266 = arith.index_cast %mul3A_163 : i32 to index
      %swap3A_267 = tpu.vector_load %arg9[%swap3A_265, %swap3A_266] {strides = array<i32>} : memref<8x4096xf32, #tpu.memory_space<vmem>>, vector<1x16xf32>,
      %swap3A_268 = vector.shape_cast %swap3A_267 : vector<1x16xf32> to vector<16xf32>
      %swap3A_269 = vector.shape_cast %add3A_263 : vector<16xf32> to vector<1x16xf32>
      tpu.vector_store %arg9[%swap3A_265, %swap3A_266], %swap3A_269 {strides = array<i32>} : memref<8x4096xf32, #tpu.memory_space<vmem>>, vector<1x16xf32>,
    }
    %scan3A_130 = arith.constant 256 : i32
    %add3A_131 = arith.constant 24 : i32
    %add3A_132 = arith.addi %mul3A_2, %add3A_131 : i32
    %dma_start3A_133 = arith.constant 0 : i32
    %dma_start3A_134 = tpu.memref_slice %arg8[%add3A_132, %dma_start3A_133] : memref<1280x4096xf32, #tpu.memory_space<hbm>> -> memref<8x4096xf32, #tpu.memory_space<hbm>>
    %dma_start3A_135 = arith.constant 0 : i32
    %dma_start3A_136 = tpu.memref_slice %arg8[%add3A_132, %dma_start3A_135] : memref<1280x4096xf32, #tpu.memory_space<hbm>> -> memref<8x4096xf32, #tpu.memory_space<hbm>>
    tpu.enqueue_dma source(%arg9 : memref<8x4096xf32, #tpu.memory_space<vmem>>) target(%dma_start3A_136 : memref<8x4096xf32, #tpu.memory_space<hbm>>) target_semaphore(%arg21 : memref<!tpu.dma_semaphore, #tpu.memory_space<semaphore_mem>>)
    %dma_wait3A_137 = arith.constant 0 : i32
    %dma_wait3A_138 = tpu.memref_slice %arg2[%add3A_116, %dma_wait3A_137] : memref<4096x4096xf32, #tpu.memory_space<hbm>> -> memref<8x4096xf32, #tpu.memory_space<hbm>>
    %dma_wait3A_139 = arith.constant 0 : i32
    %dma_wait3A_140 = tpu.memref_slice %arg2[%add3A_116, %dma_wait3A_139] : memref<4096x4096xf32, #tpu.memory_space<hbm>> -> memref<8x4096xf32, #tpu.memory_space<hbm>>
    tpu.wait_dma2 semaphore(%arg19 : memref<!tpu.dma_semaphore, #tpu.memory_space<semaphore_mem>>) src(%dma_wait3A_140 : memref<8x4096xf32, #tpu.memory_space<hbm>>) dst(%arg10 : memref<8x4096xf32, #tpu.memory_space<vmem>>)
    %scan3A_141 = arith.constant 0 : i32
    %scan3A_142 = arith.constant 0 : i32
    %scan3A_143 = arith.constant 256 : i32
    %scan3A_144 = arith.addi %scan3A_142, %scan3A_143 : i32
    %scan3A_145 = arith.constant 1 : i32
    scf.for %scan3A_161 = %scan3A_142 to %scan3A_144 step %scan3A_145  : i32 {
      %mul3A_162 = arith.constant 16 : i32
      %mul3A_163 = arith.muli %scan3A_161, %mul3A_162 : i32
      %get3A_164 = arith.index_cast %mul3A_163 : i32 to index
      %get3A_165 = tpu.vector_load %arg12[%get3A_164] {strides = array<i32>} : memref<4096xf32, #tpu.memory_space<vmem>>, vector<16xf32>,
      %get3A_166 = vector.shape_cast %get3A_165 : vector<16xf32> to vector<16xf32>
      %get3A_167 = arith.constant 0 : i32
      %get3A_168 = arith.index_cast %get3A_167 : i32 to index
      %get3A_169 = arith.index_cast %mul3A_163 : i32 to index
      %get3A_170 = tpu.vector_load %arg10[%get3A_168, %get3A_169] {strides = array<i32>} : memref<8x4096xf32, #tpu.memory_space<vmem>>, vector<1x16xf32>,
      %get3A_171 = vector.shape_cast %get3A_170 : vector<1x16xf32> to vector<16xf32>
      %mul3A_172 = arith.mulf %get3A_171, %get3A_10 : vector<16xf32>
      %add3A_173 = arith.addf %mul3A_172, %get3A_166 : vector<16xf32>
      %swap3A = arith.constant 0 : i32
      %swap3A_174 = arith.index_cast %swap3A : i32 to index
      %swap3A_175 = arith.index_cast %mul3A_163 : i32 to index
      %swap3A_176 = tpu.vector_load %arg10[%swap3A_174, %swap3A_175] {strides = array<i32>} : memref<8x4096xf32, #tpu.memory_space<vmem>>, vector<1x16xf32>,
      %swap3A_177 = vector.shape_cast %swap3A_176 : vector<1x16xf32> to vector<16xf32>
      %swap3A_178 = vector.shape_cast %add3A_173 : vector<16xf32> to vector<1x16xf32>
      tpu.vector_store %arg10[%swap3A_174, %swap3A_175], %swap3A_178 {strides = array<i32>} : memref<8x4096xf32, #tpu.memory_space<vmem>>, vector<1x16xf32>,
      %get3A_179 = arith.constant 1 : i32
      %get3A_180 = arith.index_cast %get3A_179 : i32 to index
      %get3A_181 = arith.index_cast %mul3A_163 : i32 to index
      %get3A_182 = tpu.vector_load %arg10[%get3A_180, %get3A_181] {strides = array<i32>} : memref<8x4096xf32, #tpu.memory_space<vmem>>, vector<1x16xf32>,
      %get3A_183 = vector.shape_cast %get3A_182 : vector<1x16xf32> to vector<16xf32>
      %mul3A_184 = arith.mulf %get3A_183, %get3A_10 : vector<16xf32>
      %add3A_185 = arith.addf %mul3A_184, %get3A_166 : vector<16xf32>
      %swap3A_186 = arith.constant 1 : i32
      %swap3A_187 = arith.index_cast %swap3A_186 : i32 to index
      %swap3A_188 = arith.index_cast %mul3A_163 : i32 to index
      %swap3A_189 = tpu.vector_load %arg10[%swap3A_187, %swap3A_188] {strides = array<i32>} : memref<8x4096xf32, #tpu.memory_space<vmem>>, vector<1x16xf32>,
      %swap3A_190 = vector.shape_cast %swap3A_189 : vector<1x16xf32> to vector<16xf32>
      %swap3A_191 = vector.shape_cast %add3A_185 : vector<16xf32> to vector<1x16xf32>
      tpu.vector_store %arg10[%swap3A_187, %swap3A_188], %swap3A_191 {strides = array<i32>} : memref<8x4096xf32, #tpu.memory_space<vmem>>, vector<1x16xf32>,
      %get3A_192 = arith.constant 2 : i32
      %get3A_193 = arith.index_cast %get3A_192 : i32 to index
      %get3A_194 = arith.index_cast %mul3A_163 : i32 to index
      %get3A_195 = tpu.vector_load %arg10[%get3A_193, %get3A_194] {strides = array<i32>} : memref<8x4096xf32, #tpu.memory_space<vmem>>, vector<1x16xf32>,
      %get3A_196 = vector.shape_cast %get3A_195 : vector<1x16xf32> to vector<16xf32>
      %mul3A_197 = arith.mulf %get3A_196, %get3A_10 : vector<16xf32>
      %add3A_198 = arith.addf %mul3A_197, %get3A_166 : vector<16xf32>
      %swap3A_199 = arith.constant 2 : i32
      %swap3A_200 = arith.index_cast %swap3A_199 : i32 to index
      %swap3A_201 = arith.index_cast %mul3A_163 : i32 to index
      %swap3A_202 = tpu.vector_load %arg10[%swap3A_200, %swap3A_201] {strides = array<i32>} : memref<8x4096xf32, #tpu.memory_space<vmem>>, vector<1x16xf32>,
      %swap3A_203 = vector.shape_cast %swap3A_202 : vector<1x16xf32> to vector<16xf32>
      %swap3A_204 = vector.shape_cast %add3A_198 : vector<16xf32> to vector<1x16xf32>
      tpu.vector_store %arg10[%swap3A_200, %swap3A_201], %swap3A_204 {strides = array<i32>} : memref<8x4096xf32, #tpu.memory_space<vmem>>, vector<1x16xf32>,
      %get3A_205 = arith.constant 3 : i32
      %get3A_206 = arith.index_cast %get3A_205 : i32 to index
      %get3A_207 = arith.index_cast %mul3A_163 : i32 to index
      %get3A_208 = tpu.vector_load %arg10[%get3A_206, %get3A_207] {strides = array<i32>} : memref<8x4096xf32, #tpu.memory_space<vmem>>, vector<1x16xf32>,
      %get3A_209 = vector.shape_cast %get3A_208 : vector<1x16xf32> to vector<16xf32>
      %mul3A_210 = arith.mulf %get3A_209, %get3A_10 : vector<16xf32>
      %add3A_211 = arith.addf %mul3A_210, %get3A_166 : vector<16xf32>
      %swap3A_212 = arith.constant 3 : i32
      %swap3A_213 = arith.index_cast %swap3A_212 : i32 to index
      %swap3A_214 = arith.index_cast %mul3A_163 : i32 to index
      %swap3A_215 = tpu.vector_load %arg10[%swap3A_213, %swap3A_214] {strides = array<i32>} : memref<8x4096xf32, #tpu.memory_space<vmem>>, vector<1x16xf32>,
      %swap3A_216 = vector.shape_cast %swap3A_215 : vector<1x16xf32> to vector<16xf32>
      %swap3A_217 = vector.shape_cast %add3A_211 : vector<16xf32> to vector<1x16xf32>
      tpu.vector_store %arg10[%swap3A_213, %swap3A_214], %swap3A_217 {strides = array<i32>} : memref<8x4096xf32, #tpu.memory_space<vmem>>, vector<1x16xf32>,
      %get3A_218 = arith.constant 4 : i32
      %get3A_219 = arith.index_cast %get3A_218 : i32 to index
      %get3A_220 = arith.index_cast %mul3A_163 : i32 to index
      %get3A_221 = tpu.vector_load %arg10[%get3A_219, %get3A_220] {strides = array<i32>} : memref<8x4096xf32, #tpu.memory_space<vmem>>, vector<1x16xf32>,
      %get3A_222 = vector.shape_cast %get3A_221 : vector<1x16xf32> to vector<16xf32>
      %mul3A_223 = arith.mulf %get3A_222, %get3A_10 : vector<16xf32>
      %add3A_224 = arith.addf %mul3A_223, %get3A_166 : vector<16xf32>
      %swap3A_225 = arith.constant 4 : i32
      %swap3A_226 = arith.index_cast %swap3A_225 : i32 to index
      %swap3A_227 = arith.index_cast %mul3A_163 : i32 to index
      %swap3A_228 = tpu.vector_load %arg10[%swap3A_226, %swap3A_227] {strides = array<i32>} : memref<8x4096xf32, #tpu.memory_space<vmem>>, vector<1x16xf32>,
      %swap3A_229 = vector.shape_cast %swap3A_228 : vector<1x16xf32> to vector<16xf32>
      %swap3A_230 = vector.shape_cast %add3A_224 : vector<16xf32> to vector<1x16xf32>
      tpu.vector_store %arg10[%swap3A_226, %swap3A_227], %swap3A_230 {strides = array<i32>} : memref<8x4096xf32, #tpu.memory_space<vmem>>, vector<1x16xf32>,
      %get3A_231 = arith.constant 5 : i32
      %get3A_232 = arith.index_cast %get3A_231 : i32 to index
      %get3A_233 = arith.index_cast %mul3A_163 : i32 to index
      %get3A_234 = tpu.vector_load %arg10[%get3A_232, %get3A_233] {strides = array<i32>} : memref<8x4096xf32, #tpu.memory_space<vmem>>, vector<1x16xf32>,
      %get3A_235 = vector.shape_cast %get3A_234 : vector<1x16xf32> to vector<16xf32>
      %mul3A_236 = arith.mulf %get3A_235, %get3A_10 : vector<16xf32>
      %add3A_237 = arith.addf %mul3A_236, %get3A_166 : vector<16xf32>
      %swap3A_238 = arith.constant 5 : i32
      %swap3A_239 = arith.index_cast %swap3A_238 : i32 to index
      %swap3A_240 = arith.index_cast %mul3A_163 : i32 to index
      %swap3A_241 = tpu.vector_load %arg10[%swap3A_239, %swap3A_240] {strides = array<i32>} : memref<8x4096xf32, #tpu.memory_space<vmem>>, vector<1x16xf32>,
      %swap3A_242 = vector.shape_cast %swap3A_241 : vector<1x16xf32> to vector<16xf32>
      %swap3A_243 = vector.shape_cast %add3A_237 : vector<16xf32> to vector<1x16xf32>
      tpu.vector_store %arg10[%swap3A_239, %swap3A_240], %swap3A_243 {strides = array<i32>} : memref<8x4096xf32, #tpu.memory_space<vmem>>, vector<1x16xf32>,
      %get3A_244 = arith.constant 6 : i32
      %get3A_245 = arith.index_cast %get3A_244 : i32 to index
      %get3A_246 = arith.index_cast %mul3A_163 : i32 to index
      %get3A_247 = tpu.vector_load %arg10[%get3A_245, %get3A_246] {strides = array<i32>} : memref<8x4096xf32, #tpu.memory_space<vmem>>, vector<1x16xf32>,
      %get3A_248 = vector.shape_cast %get3A_247 : vector<1x16xf32> to vector<16xf32>
      %mul3A_249 = arith.mulf %get3A_248, %get3A_10 : vector<16xf32>
      %add3A_250 = arith.addf %mul3A_249, %get3A_166 : vector<16xf32>
      %swap3A_251 = arith.constant 6 : i32
      %swap3A_252 = arith.index_cast %swap3A_251 : i32 to index
      %swap3A_253 = arith.index_cast %mul3A_163 : i32 to index
      %swap3A_254 = tpu.vector_load %arg10[%swap3A_252, %swap3A_253] {strides = array<i32>} : memref<8x4096xf32, #tpu.memory_space<vmem>>, vector<1x16xf32>,
      %swap3A_255 = vector.shape_cast %swap3A_254 : vector<1x16xf32> to vector<16xf32>
      %swap3A_256 = vector.shape_cast %add3A_250 : vector<16xf32> to vector<1x16xf32>
      tpu.vector_store %arg10[%swap3A_252, %swap3A_253], %swap3A_256 {strides = array<i32>} : memref<8x4096xf32, #tpu.memory_space<vmem>>, vector<1x16xf32>,
      %get3A_257 = arith.constant 7 : i32
      %get3A_258 = arith.index_cast %get3A_257 : i32 to index
      %get3A_259 = arith.index_cast %mul3A_163 : i32 to index
      %get3A_260 = tpu.vector_load %arg10[%get3A_258, %get3A_259] {strides = array<i32>} : memref<8x4096xf32, #tpu.memory_space<vmem>>, vector<1x16xf32>,
      %get3A_261 = vector.shape_cast %get3A_260 : vector<1x16xf32> to vector<16xf32>
      %mul3A_262 = arith.mulf %get3A_261, %get3A_10 : vector<16xf32>
      %add3A_263 = arith.addf %mul3A_262, %get3A_166 : vector<16xf32>
      %swap3A_264 = arith.constant 7 : i32
      %swap3A_265 = arith.index_cast %swap3A_264 : i32 to index
      %swap3A_266 = arith.index_cast %mul3A_163 : i32 to index
      %swap3A_267 = tpu.vector_load %arg10[%swap3A_265, %swap3A_266] {strides = array<i32>} : memref<8x4096xf32, #tpu.memory_space<vmem>>, vector<1x16xf32>,
      %swap3A_268 = vector.shape_cast %swap3A_267 : vector<1x16xf32> to vector<16xf32>
      %swap3A_269 = vector.shape_cast %add3A_263 : vector<16xf32> to vector<1x16xf32>
      tpu.vector_store %arg10[%swap3A_265, %swap3A_266], %swap3A_269 {strides = array<i32>} : memref<8x4096xf32, #tpu.memory_space<vmem>>, vector<1x16xf32>,
    }
    %scan3A_146 = arith.constant 256 : i32
    %add3A_147 = arith.constant 32 : i32
    %add3A_148 = arith.addi %mul3A_2, %add3A_147 : i32
    %dma_start3A_149 = arith.constant 0 : i32
    %dma_start3A_150 = tpu.memref_slice %arg8[%add3A_148, %dma_start3A_149] : memref<1280x4096xf32, #tpu.memory_space<hbm>> -> memref<8x4096xf32, #tpu.memory_space<hbm>>
    %dma_start3A_151 = arith.constant 0 : i32
    %dma_start3A_152 = tpu.memref_slice %arg8[%add3A_148, %dma_start3A_151] : memref<1280x4096xf32, #tpu.memory_space<hbm>> -> memref<8x4096xf32, #tpu.memory_space<hbm>>
    tpu.enqueue_dma source(%arg10 : memref<8x4096xf32, #tpu.memory_space<vmem>>) target(%dma_start3A_152 : memref<8x4096xf32, #tpu.memory_space<hbm>>) target_semaphore(%arg22 : memref<!tpu.dma_semaphore, #tpu.memory_space<semaphore_mem>>)
    %dma_wait3A_153 = arith.constant 0 : i32
    %dma_wait3A_154 = tpu.memref_slice %arg8[%add3A_132, %dma_wait3A_153] : memref<1280x4096xf32, #tpu.memory_space<hbm>> -> memref<8x4096xf32, #tpu.memory_space<hbm>>
    %dma_wait3A_155 = arith.constant 0 : i32
    %dma_wait3A_156 = tpu.memref_slice %arg8[%add3A_132, %dma_wait3A_155] : memref<1280x4096xf32, #tpu.memory_space<hbm>> -> memref<8x4096xf32, #tpu.memory_space<hbm>>
    tpu.wait_dma2 semaphore(%arg21 : memref<!tpu.dma_semaphore, #tpu.memory_space<semaphore_mem>>) src(%arg9 : memref<8x4096xf32, #tpu.memory_space<vmem>>) dst(%dma_wait3A_156 : memref<8x4096xf32, #tpu.memory_space<hbm>>)
    %dma_wait3A_157 = arith.constant 0 : i32
    %dma_wait3A_158 = tpu.memref_slice %arg8[%add3A_148, %dma_wait3A_157] : memref<1280x4096xf32, #tpu.memory_space<hbm>> -> memref<8x4096xf32, #tpu.memory_space<hbm>>
    %dma_wait3A_159 = arith.constant 0 : i32
    %dma_wait3A_160 = tpu.memref_slice %arg8[%add3A_148, %dma_wait3A_159] : memref<1280x4096xf32, #tpu.memory_space<hbm>> -> memref<8x4096xf32, #tpu.memory_space<hbm>>
    tpu.wait_dma2 semaphore(%arg22 : memref<!tpu.dma_semaphore, #tpu.memory_space<semaphore_mem>>) src(%arg10 : memref<8x4096xf32, #tpu.memory_space<vmem>>) dst(%dma_wait3A_160 : memref<8x4096xf32, #tpu.memory_space<hbm>>)
    return
  }
}

module attributes {stable_mosaic.version = 14 : i64} {
  func.func @_tc_body(%arg0: i32, %arg1: memref<1xi32, #tpu.memory_space<smem>>, %arg2: memref<1xf32, #tpu.memory_space<smem>>, %arg3: memref<256x4096xf32, #tpu.memory_space<vmem>>, %arg4: memref<1x8192xf32, #tpu.memory_space<vmem>>, %arg5: memref<1x8192xf32, #tpu.memory_space<vmem>>, %arg6: memref<1x4096xf32, #tpu.memory_space<vmem>>, %arg7: memref<256x4096xf32, #tpu.memory_space<vmem>>) attributes {dimension_semantics = [#tpu.dimension_semantics<arbitrary>], iteration_bounds = array<i64: 11>, scalar_prefetch = 0 : i64, scratch_operands = 0 : i64, tpu.core_type = #tpu.core_type<tc>, window_params = [{transform_indices = @transform_0, window_bounds = array<i64: 1>}, {transform_indices = @transform_1, window_bounds = array<i64: 1>}, {transform_indices = @transform_2, window_bounds = array<i64: 256, 4096>}, {pipeline_mode = #tpu.pipeline_mode<synchronous>, transform_indices = @transform_3, window_bounds = array<i64: 1, 8192>}, {pipeline_mode = #tpu.pipeline_mode<synchronous>, transform_indices = @transform_4, window_bounds = array<i64: 1, 8192>}, {pipeline_mode = #tpu.pipeline_mode<synchronous>, transform_indices = @transform_5, window_bounds = array<i64: 1, 4096>}, {transform_indices = @transform_6, window_bounds = array<i64: 256, 4096>}]} {
    %get3A = arith.constant 0 : index
    %get3A_0 = memref.load %arg1[%get3A] : memref<1xi32, #tpu.memory_space<smem>>
    %iota3A = tpu.iota {dimensions = array<i32: 1>} : vector<1x8192xi32>
    %eq3A = vector.broadcast %get3A_0 : i32 to vector<1x8192xi32>
    %eq3A_1 = arith.cmpi eq, %iota3A, %eq3A : vector<1x8192xi32>
    %convert_element_type3A = arith.extui %eq3A_1 : vector<1x8192xi1> to vector<1x8192xi32>
    %convert_element_type3A_2 = arith.sitofp %convert_element_type3A : vector<1x8192xi32> to vector<1x8192xf32>
    %get3A_3 = arith.constant 0 : index
    %get3A_4 = arith.constant 0 : index
    %get3A_5 = vector.load %arg4[%get3A_3, %get3A_4] : memref<1x8192xf32, #tpu.memory_space<vmem>>, vector<1x8192xf32>
    %mul3A = arith.mulf %get3A_5, %convert_element_type3A_2 : vector<1x8192xf32>
    %reduce_sum3A = vector.shape_cast %mul3A : vector<1x8192xf32> to vector<1x1x8192xf32>
    %reduce_sum3A_6 = arith.constant dense<0.000000e+00> : vector<1xf32>
    %reduce_sum3A_7 = vector.multi_reduction <add>, %reduce_sum3A, %reduce_sum3A_6 [1, 2] : vector<1x1x8192xf32> to vector<1xf32>
    %reduce_sum3A_8 = vector.shape_cast %reduce_sum3A_7 : vector<1xf32> to vector<1x1x1xf32>
    %reduce_sum3A_9 = vector.extract %reduce_sum3A_8[0, 0, 0] : f32 from vector<1x1x1xf32>
    %get3A_10 = arith.constant 0 : index
    %get3A_11 = arith.constant 0 : index
    %get3A_12 = vector.load %arg5[%get3A_10, %get3A_11] : memref<1x8192xf32, #tpu.memory_space<vmem>>, vector<1x8192xf32>
    %mul3A_13 = arith.mulf %get3A_12, %convert_element_type3A_2 : vector<1x8192xf32>
    %reduce_sum3A_14 = vector.shape_cast %mul3A_13 : vector<1x8192xf32> to vector<1x1x8192xf32>
    %reduce_sum3A_15 = arith.constant dense<0.000000e+00> : vector<1xf32>
    %reduce_sum3A_16 = vector.multi_reduction <add>, %reduce_sum3A_14, %reduce_sum3A_15 [1, 2] : vector<1x1x8192xf32> to vector<1xf32>
    %reduce_sum3A_17 = vector.shape_cast %reduce_sum3A_16 : vector<1xf32> to vector<1x1x1xf32>
    %reduce_sum3A_18 = vector.extract %reduce_sum3A_17[0, 0, 0] : f32 from vector<1x1x1xf32>
    %get3A_19 = arith.constant 0 : index
    %get3A_20 = memref.load %arg2[%get3A_19] : memref<1xf32, #tpu.memory_space<smem>>
    %jit3A = arith.constant 0.899999976 : f32
    %jit3A_21 = arith.constant 1.000000e+00 : f32
    %max3A = arith.maximumf %jit3A, %get3A_20 : f32
    %min3A = arith.minimumf %jit3A_21, %max3A : f32
    %get3A_22 = arith.constant 0 : index
    %get3A_23 = arith.constant 0 : index
    %get3A_24 = vector.load %arg6[%get3A_22, %get3A_23] : memref<1x4096xf32, #tpu.memory_space<vmem>>, vector<1x4096xf32>
    %mul3A_25 = vector.broadcast %min3A : f32 to vector<1x4096xf32>
    %mul3A_26 = arith.mulf %mul3A_25, %get3A_24 : vector<1x4096xf32>
    %add3A = vector.broadcast %reduce_sum3A_18 : f32 to vector<1x4096xf32>
    %add3A_27 = arith.addf %mul3A_26, %add3A : vector<1x4096xf32>
    %get3A_28 = arith.constant 0 : index
    %get3A_29 = arith.constant 0 : index
    %get3A_30 = vector.load %arg3[%get3A_28, %get3A_29] : memref<256x4096xf32, #tpu.memory_space<vmem>>, vector<256x4096xf32>
    %mul3A_31 = vector.broadcast %reduce_sum3A_9 : f32 to vector<256x4096xf32>
    %mul3A_32 = arith.mulf %get3A_30, %mul3A_31 : vector<256x4096xf32>
    %add3A_33 = vector.broadcast %add3A_27 : vector<1x4096xf32> to vector<256x4096xf32>
    %add3A_34 = arith.addf %mul3A_32, %add3A_33 : vector<256x4096xf32>
    %swap3A = arith.constant 0 : index
    %swap3A_35 = arith.constant 0 : index
    %swap3A_36 = vector.load %arg7[%swap3A, %swap3A_35] : memref<256x4096xf32, #tpu.memory_space<vmem>>, vector<256x4096xf32>
    tpu.vector_store %arg7[%swap3A, %swap3A_35], %add3A_34 {strides = array<i32>} : memref<256x4096xf32, #tpu.memory_space<vmem>>, vector<256x4096xf32>,
    return
  }
  func.func @transform_0(%arg0: i32) -> i32 {
    %c0_i32 = arith.constant 0 : i32
    %c0_i32_0 = arith.constant 0 : i32
    return %c0_i32 : i32
  }
  func.func @transform_1(%arg0: i32) -> i32 {
    %c0_i32 = arith.constant 0 : i32
    %c0_i32_0 = arith.constant 0 : i32
    return %c0_i32 : i32
  }
  func.func @transform_2(%arg0: i32) -> (i32, i32) {
    %c0_i32 = arith.constant 0 : i32
    %c0_i32_0 = arith.constant 0 : i32
    return %arg0, %c0_i32 : i32, i32
  }
  func.func @transform_3(%arg0: i32) -> (i32, i32) {
    %c0_i32 = arith.constant 0 : i32
    %c0_i32_0 = arith.constant 0 : i32
    %c0_i32_1 = arith.constant 0 : i32
    return %c0_i32, %c0_i32_0 : i32, i32
  }
  func.func @transform_4(%arg0: i32) -> (i32, i32) {
    %c0_i32 = arith.constant 0 : i32
    %c0_i32_0 = arith.constant 0 : i32
    %c0_i32_1 = arith.constant 0 : i32
    return %c0_i32, %c0_i32_0 : i32, i32
  }
  func.func @transform_5(%arg0: i32) -> (i32, i32) {
    %c0_i32 = arith.constant 0 : i32
    %c0_i32_0 = arith.constant 0 : i32
    %c0_i32_1 = arith.constant 0 : i32
    return %c0_i32, %c0_i32_0 : i32, i32
  }
  func.func @transform_6(%arg0: i32) -> (i32, i32) {
    %c0_i32 = arith.constant 0 : i32
    %c0_i32_0 = arith.constant 0 : i32
    return %arg0, %c0_i32 : i32, i32
  }
}

</mosaic_0001>

<sc_bundles>
// kernel: kernel.4.cloned.1.call-start
scs
__scs_entry_jumppad:
0x0: {  	(pc) =	sbr.rel $0x88, $3  }
0x1: {  	(tag) =	ssettag $0x0;
	lr =	simm.s32 $0x1  }
0x2: {  	[smem:$0x3F9B] =	sst lr;
	_ =	strace $0xD0000000  }
0x3: {  	_ = 	snop  }
0x4: {  	_ = 	snop  }
0x5: {  	_ = 	snop  }
0x6: {  	_ = 	snop  }
0x7: {  	_ = 	snop  }
__scs_overlays_trampoline_lowered:
0x8: {  	[smem:$0x3FAA] =	sst s0  }
0x9: {  	[smem:$0x3FAB] =	sst s1  }
0xa: {  	[smem:$0x3FAC] =	sst s2  }
0xb: {  	[smem:$0x3FAD] =	sst s3  }
0xc: {  	[smem:$0x3FAE] =	sst s4  }
0xd: {  	[smem:$0x3FAF] =	sst s5  }
0xe: {  	[smem:$0x3FB0] =	sst s6  }
0xf: {  	[smem:$0x3FB1] =	sst s7  }
0x10: {  	[smem:$0x3FB2] =	sst s8  }
0x11: {  	[smem:$0x3FB3] =	sst s9;
	s0 =	simm.s32 @!p0 $0x0  }
0x12: {  	s1 =	sld [smem:$0x3F99];
	s0 =	simm.s32 @p0 $0x1  }
0x13: {  	[smem:$0x3FB4] =	sst s0;
	s0 =	simm.s32 @!p1 $0x0  }
0x14: {  	s2 =	sld [smem:$0x3F98];
	s0 =	simm.s32 @p1 $0x1  }
0x15: {  	[smem:$0x3FB5] =	sst s0;
	s0 =	simm.s32 @!p2 $0x0  }
0x16: {  	s3 =	sld [smem:$0x3FDB];
	s0 =	simm.s32 @p2 $0x1  }
0x17: {  	s4 =	simm.s32 $0x1BF5;
	[smem:$0x3FB7] =	sst s0  }
0x18: {  	s0 =	sld [smem:$0x3F9A];
	_ =	swait.ge [sflag:s4], $0x0  }
0x19: {  	s7 =	sld [smem:$0x3F9B]  }
0x1a: {  	s8 =	sadd.s32 $0xFFFFE003, lr  }
0x1b: {  	s9 =	sadd.s32 $0xFFFFFEF7, lr;
	s5 =	simm.s32 $0xFFFFFFFF;
	p2 =	slt.u32 s8, $0xFFFFF086  }
0x1c: {  	p1 =	slt.u32 s9, $0xF7A;
	s5 =	simm.s32 @!p2 $0x0  }
0x1d: {  	s5 =	simm.s32 @p1 $0x1;
	p0 =	seq.s32 s7, s2  }
0x1e: {  	s7 =	smul.u32 @!p0 $0xF7A, s2;
	p2 =	seq.s32 @!p0 s5, $0x0  }
0x1f: {  	s9 =	smul.u32 $0xF7A, s1;
	s8 =	simm.s32 @!p0 $0x1BF5;
	p2 =	por !p2, p0  }
0x20: {  	[sflag:s8] =	ssyncset.s32 @!p0 $0xFFFFF086;
	s6 =	sadd.s32 @!p0 s3, s7;
	s7 =	simm.s32 @!p0 $0x108  }
0x21: {  	s3 =	sadd.s32 s3, s9;
	s6 =	sadd.s32 @!p0 $0x88, s6;
	s7 =	simm.s32 @p2 $0x1082  }
0x22: {  	[simem:s7], [sflag:s8] =	dma.local @!p0 [hbm:s6], $0xF7A  }
0x23: {  	s9 =	sor.u32 $0xD0000000, s2;
	s6 =	simm.s32 $0x108;
	_ =	swait.ge @!p0 [sflag:s8], $0x0  }
0x24: {  	s3 =	sadd.s32 $0x88, s3;
	s6 =	simm.s32 @!p1 $0x1082;
	[sflag:s4] =	ssyncset.s32 $0xFFFFF086  }
0x25: {  	[simem:s6], [sflag:s4] =	dma.local [hbm:s3], $0xF7A  }
0x26: {  	[smem:$0x3F9B] =	sst s1;
	(tag) =	ssettag s2;
	_ =	strace s9  }
0x27: {  	s1 =	sld [smem:$0x3FAB]  }
0x28: {  	s2 =	sld [smem:$0x3FAC]  }
0x29: {  	s4 =	sld [smem:$0x3FAE]  }
0x2a: {  	p0 =	seq.s32 s5, $0x0;
	s5 =	sld [smem:$0x3FAF]  }
0x2b: {  	s6 =	sld [smem:$0x3FB0]  }
0x2c: {  	s7 =	sld [smem:$0x3FB1]  }
0x2d: {  	s3 =	simm.s32 $0x108;
	s8 =	sld [smem:$0x3FB2]  }
0x2e: {  	s3 =	simm.s32 @!p0 $0x1082;
	s9 =	sld [smem:$0x3FB3]  }
0x2f: {  	lr =	sadd.s32 s0, s3;
	s0 =	sld [smem:$0x3FAA]  }
0x30: {  	s3 =	sld [smem:$0x3FAD]  }
0x31: {  	[smem:$0x3FB6] =	sst s10  }
0x32: {  	s10 =	sld [smem:$0x3FB4];
	_ =	sdelay $0x3  }
0x33: {  	p0 =	seq.s32 s10, $0x1;
	s10 =	sld [smem:$0x3FB6];
	_ =	sdelay $0x3  }
0x34: {  	[smem:$0x3FB6] =	sst s10  }
0x35: {  	s10 =	sld [smem:$0x3FB5];
	_ =	sdelay $0x3  }
0x36: {  	p1 =	seq.s32 s10, $0x1;
	s10 =	sld [smem:$0x3FB6];
	_ =	sdelay $0x3  }
0x37: {  	[smem:$0x3FB6] =	sst s10  }
0x38: {  	s10 =	sld [smem:$0x3FB7]  }
0x39: {  	_ = 	snop;
	(pc) =	sbr.ind lr, $3  }
0x3a: {  	_ = 	snop  }
0x3b: {  	_ = 	snop  }
0x3c: {  	p2 =	seq.s32 s10, $0x1;
	s10 =	sld [smem:$0x3FB6]  }
0x3d: {  	_ =	shalt  }
0x3e: {  	_ =	shalt  }
0x3f: {  	_ =	shalt  }
0x40: {  	_ =	shalt  }
0x41: {  	_ =	shalt  }
0x42: {  	_ =	shalt  }
0x43: {  	_ =	shalt  }
0x44: {  	_ =	shalt  }
0x45: {  	_ =	shalt  }
0x46: {  	_ =	shalt  }
0x47: {  	_ =	shalt  }
0x48: {  	_ =	shalt  }
0x49: {  	_ =	shalt  }
0x4a: {  	_ =	shalt  }
0x4b: {  	_ =	shalt  }
0x4c: {  	_ =	shalt  }
0x4d: {  	_ =	shalt  }
0x4e: {  	_ =	shalt  }
0x4f: {  	_ =	shalt  }
0x50: {  	_ =	shalt  }
0x51: {  	_ =	shalt  }
0x52: {  	_ =	shalt  }
0x53: {  	_ =	shalt  }
0x54: {  	_ =	shalt  }
0x55: {  	_ =	shalt  }
0x56: {  	_ =	shalt  }
0x57: {  	_ =	shalt  }
0x58: {  	_ =	shalt  }
0x59: {  	_ =	shalt  }
0x5a: {  	_ =	shalt  }
0x5b: {  	_ =	shalt  }
0x5c: {  	_ =	shalt  }
0x5d: {  	_ =	shalt  }
0x5e: {  	_ =	shalt  }
0x5f: {  	_ =	shalt  }
0x60: {  	_ =	shalt  }
0x61: {  	_ =	shalt  }
0x62: {  	_ =	shalt  }
0x63: {  	_ =	shalt  }
0x64: {  	_ =	shalt  }
0x65: {  	_ =	shalt  }
0x66: {  	_ =	shalt  }
0x67: {  	_ =	shalt  }
0x68: {  	_ =	shalt  }
0x69: {  	_ =	shalt  }
0x6a: {  	_ =	shalt  }
0x6b: {  	_ =	shalt  }
0x6c: {  	_ =	shalt  }
0x6d: {  	_ =	shalt  }
0x6e: {  	_ =	shalt  }
0x6f: {  	_ =	shalt  }
0x70: {  	_ =	shalt  }
0x71: {  	_ =	shalt  }
0x72: {  	_ =	shalt  }
0x73: {  	_ =	shalt  }
0x74: {  	_ =	shalt  }
0x75: {  	_ =	shalt  }
0x76: {  	_ =	shalt  }
0x77: {  	_ =	shalt  }
0x78: {  	_ =	shalt  }
0x79: {  	_ =	shalt  }
0x7a: {  	_ =	shalt  }
0x7b: {  	_ =	shalt  }
0x7c: {  	_ =	shalt  }
0x7d: {  	_ =	shalt  }
0x7e: {  	_ =	shalt  }
0x7f: {  	_ =	shalt  }
0x80: {  	_ =	shalt  }
0x81: {  	_ =	shalt  }
0x82: {  	_ =	shalt  }
0x83: {  	_ =	shalt  }
0x84: {  	_ =	shalt  }
0x85: {  	_ =	shalt  }
0x86: {  	_ =	shalt  }
0x87: {  	_ =	shalt  }
.Lfunc_end0:
.L_simem_size_0:
called_computation_lowered:
.L_overlay_start_0:
0x88: {  	s2 =	sld [smem:$0x3FD9]  }
0x89: {  	s3 =	sld [smem:$0x3FFE];
	_ =	sdelay $0x1  }
0x8a: {  	s1 =	srdreg.scid  }
0x8b: {  	s0 =	sand.u32 $0x1, s1  }
0x8c: {  	s14 =	sshll.u32 s0, $0xA;
	s2 =	sadd.s32 s3, s2  }
0x8d: {  	s2 =	sadd.s32 s2, s14  }
0x8e: {  	[smem:$0x3FC2] =	sst s2  }
0x8f: {  	_ = 	snop  }
0x90: {  	s2 =	sld [smem:$0x3FC9]  }
0x91: {  	s15 =	sld [smem:$0x3FD0]  }
0x92: {  	s4 =	sld [smem:$0x3FC7]  }
0x93: {  	s5 =	sld [smem:$0x3FC6]  }
0x94: {  	s7 =	simm.s32 $0xA;
	s8 =	simm.s32 $0x10;
	s6 =	sld [smem:$0x3FC4]  }
0x95: {  	[smem:s8], [sflag:s7] =	dma.local [hbm:s15], $0x1  }
0x96: {  	_ =	swait.eq [sflag:s7], $0x1  }
0x97: {  	[sflag:s7] =	ssyncset.done $0x0  }
0x98: {  	[sflag:s7] =	ssyncadd.s32 $0xFFFFFFFF  }
0x99: {  	s16 =	sld [smem:$0x11];
	(tm) =	ssettm $0x1  }
0x9a: {  	s17 =	sld [smem:$0x3FFB];
	_ =	sdelay $0x3  }
0x9b: {  	_ =	strace s17  }
0x9c: {  	s7 =	sld [smem:$0x3FFC];
	_ =	sdelay $0x3  }
0x9d: {  	_ =	strace s7  }
0x9e: {  	s7 =	sld [smem:$0x3FFD];
	_ =	sdelay $0x3  }
0x9f: {  	_ =	strace s7  }
0xa0: {  	_ =	strace $0x8FFFFFFF  }
0xa1: {  	s18 =	sld [smem:$0x3FDB];
	_ =	sdelay $0x1  }
0xa2: {  	s19 =	simm.s32 $_scs_section_size  }
0xa3: {  	s9 =	simm.s32 $_size__tile_overlayer_lowered;
	s10 =	simm.s32 $_tile_overlayer_lowered  }
0xa4: {  	s22 =	simm.s32 $0x1BFF;
	s21 =	sshll.u32 s10, $0x1;
	s7 =	sadd.s32 s19, s18  }
0xa5: {  	s11 =	simm.s32 $0x0;
	s20 =	sshll.u32 s9, $0x1;
	s9 =	sadd.s32 s21, s7  }
0xa6: {  	[timem:s11], [sflag:s22] =	dma.local [hbm:s9], s20  }
0xa7: {  	_ =	swait.ge [sflag:s22], s20  }
0xa8: {  	s8 =	ssub.s32 $0x0, s20;
	[sflag:s22] =	ssyncset.done $0x0  }
0xa9: {  	[sflag:s22] =	ssyncadd.s32 s8;
	_ =	sdelay $0x1  }
0xaa: {  	s23 =	simm.s32 $0x1B8B  }
0xab: {  	_ =	swait.ge [sflag:s23], $0x1  }
0xac: {  	[sflag:s23] =	ssyncset.done $0x0  }
0xad: {  	s25 =	simm.s32 $0x1B8E;
	s24 =	sld [smem:$0x3FFE];
	[sflag:s23] =	ssyncadd.s32 $0xFFFFFFFF  }
0xae: {  	s26 =	simm.s32 $execute0_lowered;
	[smem:$0x3FD2] =	sst s25  }
0xaf: {  	s9 =	sshll.u32 s26, $0x1;
	_ =	strace $0x80000046;
	[dreg:$0x1] =	wrdreg $0xFFFFFFFF  }
0xb0: {  	s28 =	simm.s32 $_size_execute0_lowered;
	s7 =	sadd.s32 s7, s9;
	[dreg:$0x0] =	wrdreg $0x0  }
0xb1: {  	s9 =	sshll.u32 s28, $0x1;
	[dreg:$0x2] =	wrdreg s7  }
0xb2: {  	[dreg:$0x3] =	wrdreg s9  }
0xb3: {  	[dreg:$0x4] =	wrdreg $0xC0  }
0xb4: {  	_ =	task [dreg:s11], $0x5FFFF  }
0xb5: {  	[dreg:$0x1] =	wrdreg $0xFFFFFFFF  }
0xb6: {  	[dreg:$0x0] =	wrdreg $0x60  }
0xb7: {  	[dreg:$0x2] =	wrdreg s2  }
0xb8: {  	[dreg:$0x3] =	wrdreg s24  }
0xb9: {  	[dreg:$0x4] =	wrdreg s4  }
0xba: {  	[dreg:$0x5] =	wrdreg s5  }
0xbb: {  	[dreg:$0x6] =	wrdreg s6  }
0xbc: {  	[dreg:$0x7] =	wrdreg s16  }
0xbd: {  	[dreg:$0x8] =	wrdreg $0x9  }
0xbe: {  	_ =	task.clear_ibuf [dreg:s11], $0x9FFFF;
	_ =	strace $0x90000046  }
0xbf: {  	s29 =	simm.s32 $0x9;
	_ =	strace $0x80000048  }
0xc0: {  	_ =	swait.ge [sflag:s29], $0x1  }
0xc1: {  	[sflag:s29] =	ssyncadd.s32 $0xFFFFFFFF  }
0xc2: {  	_ =	strace $0x90000048  }
0xc3: {  	_ =	sfence  }
0xc4: {  	s30 =	sld [smem:$0x0];
	_ =	sdelay $0x2  }
0xc5: {  	s31 =	sshll.u32 s1, $0xD;
	s1 =	sshrl.u32 s1, $0x2  }
0xc6: {  	s3 =	sand.u32 $0x4000, s31;
	s1 =	sadd.s32 s1, s30  }
0xc7: {  	s0 =	sor.u32 s3, s0;
	s1 =	sshll.u32 s1, $0x11  }
0xc8: {  	s0 =	sor.u32 s1, s0  }
0xc9: {  	s0 =	sadd.s32 $0x8F2B, s0  }
0xca: {  	[sflag:s0] =	ssyncadd.remote.s32 $0x1  }
0xcb: {  	_ =	sfence.sel $0xFFFF  }
0xcc: {  	[dreg:$0x0] =	wrdreg $0xFFFFFFFF;
	(pc) =	sbr.abs _section_cstart, $3  }
0xcd: {  	[dreg:$0x1] =	wrdreg $0xFFFFFFFF  }
0xce: {  	_ =	task.clear_ibuf [dreg:s11], $0x2FFFF;
	_ =	strace $0x9FFFFFFF  }
0xcf: {  	(tm) =	ssettm $0x7FFFFFFF  }
tec
execute0_lowered:
.L_overlay_start_1:
0x0: {  	(tag) =	ssettag $0x1  }
0x1: {  	s0 =	rddreg [dreg:$0x0]  }
0x2: {  	s1 =	rddreg [dreg:$0x1];
	s2 =	srdreg.scid  }
0x3: {  	s4 =	stileid.u32;
	s3 =	rddreg [dreg:$0x5];
	s5 =	simm.s32 $0x0  }
0x4: {  	s19 =	simm.s32 $0x19100;
	s20 =	simm.s32 $0x8;
	s22 =	simm.s32 $0x10  }
0x5: {  	s24 =	simm.s32 $0x1;
	s28 =	simm.s32 $0x8000;
	s29 =	simm.s32 $0x2  }
0x6: {  	s30 =	simm.s32 $0x10000;
	s2 =	sand.u32 $0x1, s2;
	s4 =	sshll.u32 s4, $0x1  }
0x7: {  	s31 =	simm.s32 $0x3;
	[smem:$0x7FF] =	sst s5;
	s4 =	sor.u32 s2, s4  }
0x8: {  	s6 =	sadd.s32 $0xE00, s1;
	s2 =	ssub.s32 $0x2, s2;
	s7 =	smul.u32 $0x28000, s4  }
0x9: {  	_ =	strace $0x80000047;
	s8 =	sshrl.u32 s2, $0x1;
	s4 =	smul.u32 $0x5000, s4  }
0xa: {  	[dreg:$0x7] =	wrdreg s6;
	s25 =	ssub.s32 s2, s8;
	s2 =	simm.s32 $0x0  }
0xb: {  	s11 =	sshrl.u32 s7, $0x3;
	s7 =	sadd.s32 $0x1000, s1;
	s10 =	sadd.s32 s3, s4  }
0xc: {  	s18 =	smax.u32 s25, $0x1;
	s1 =	simm.s32 $0x6;
	s0 =	sadd.s32 s0, s11  }
0xd: {  	s26 =	sadd.s32 s3, s11;
	s3 =	simm.s32 $0x5;
	s8 =	sadd.s32 $0x160000, s0  }
0xe: {  	s9 =	sadd.s32 $0x161000, s0;
	s11 =	sadd.s32 $0x162000, s0;
	s12 =	sadd.s32 $0x1000, s26  }
0xf: {  	s13 =	sadd.s32 $0x163000, s0;
	s14 =	sadd.s32 $0x2000, s26;
	s15 =	sadd.s32 $0x164000, s0  }
0x10: {  	s16 =	sadd.s32 $0x3000, s26;
	s17 =	sadd.s32 $0x4000, s26;
	s0 =	simm.s32 $0x4  }
.LBB2_1:
0x11: {  	s4 =	rddreg [dreg:$0x7]  }
0x12: {  	[tilespmem:s19], [sflag:$0x8] =	stream.linear.gather [hbm4b:s4+s5], $0x80, $0x38;
	[tilespmem:$0x19200] =	vst v63  }
0x13: {  	_ =	swait.ge [sflag:s20], $0x80  }
0x14: {  	[sflag:s20] =	ssyncset.done $0x0  }
0x15: {  	s25 =	simm.s32 $0x19180;
	[sflag:s20] =	ssyncadd.s32 $0xFFFFFF80  }
0x16: {  	[tilespmem:s25], [sflag:$0x8] =	stream.linear.gather [hbm4b:s7+s5], $0x80, $0x38;
	[tilespmem:$0x19200] =	vst v63  }
0x17: {  	_ =	swait.ge [sflag:s20], $0x80  }
0x18: {  	[sflag:s20] =	ssyncset.done $0x0  }
0x19: {  	[sflag:s20] =	ssyncadd.s32 $0xFFFFFF80  }
0x1a: {  	s6 =	simm.s32 $0x19000;
	s26 =	rddreg [dreg:$0x2]  }
0x1b: {  	[tilespmem:s6], [sflag:$0x1] =	stream.indirect.gather [hbm4b:s26+s22], $0x1, s19, s22, $0xb8;
	[tilespmem:$0x19200] =	vst v63  }
0x1c: {  	_ =	swait.ge [sflag:s24], $0x10  }
0x1d: {  	[sflag:s24] =	ssyncset.done $0x0  }
0x1e: {  	[sflag:s24] =	ssyncadd.s32 $0xFFFFFFF0  }
0x1f: {  	s23 =	simm.s32 $0x19080;
	s21 =	rddreg [dreg:$0x3]  }
0x20: {  	[tilespmem:s23], [sflag:$0x1] =	stream.indirect.gather [hbm4b:s21+s22], $0x1, s19, s22, $0xb8;
	[tilespmem:$0x19200] =	vst v63  }
0x21: {  	_ =	swait.ge [sflag:s24], $0x10  }
0x22: {  	[sflag:s24] =	ssyncset.done $0x0  }
0x23: {  	[sflag:s24] =	ssyncadd.s32 $0xFFFFFFF0  }
0x24: {  	v0 =	vld [tilespmem:$0x19000]  }
0x25: {  	s26 =	simm.s32 $0x18000;
	v1 =	vld [tilespmem:$0x19080];
	s25 =	rddreg [dreg:$0x4]  }
0x26: {  	v2 =	vld [tilespmem:$0x19180];
	[tilespmem:s26], [sflag:$0x8] =	stream.linear.gather [hbm4b:s25+s5], $0x1000, $0x38  }
0x27: {  	_ =	swait.ge [sflag:s20], $0x1000  }
0x28: {  	[sflag:s20] =	ssyncset.done $0x0  }
0x29: {  	s4 =	simm.s32 $0x18020;
	[sflag:s20] =	ssyncadd.s32 $0xFFFFF000  }
0x2a: {  	v3 =	vld [tilespmem:s4+$0xFFFFFFE0]  }
0x2b: {  	v4 =	vld [tilespmem:s4+$0x0]  }
0x2c: {  	v5 =	vld [tilespmem:s4+$0x10]  }
0x2d: {  	v2 =	vmax.f32 v2, $8.999999760e-01;
	v6 =	vld [tilespmem:s4+$0xFFFFFFF0]  }
0x2e: {  	v2 =	vmin.f32 v2, $1.000000000e+00  }
0x2f: {  	v3 =	vmul.f32 v3, v2  }
0x30: {  	v4 =	vmul.f32 v4, v2  }
0x31: {  	v5 =	vmul.f32 v5, v2;
	v7 =	vadd.f32 v3, v1  }
0x32: {  	v3 =	vmul.f32 v6, v2;
	v4 =	vadd.f32 v4, v1  }
0x33: {  	s21 =	simm.s32 $0x0;
	s23 =	simm.s32 $0x18060;
	v5 =	vadd.f32 v5, v1;
	[tilespmem:s4+$0xFFFFFFE0] =	vst v7  }
.LBB2_2:
0x34: {  	v6 =	vld [tilespmem:s23+$0xFFFFFFE0];
	v3 =	vadd.f32 v3, v1;
	[tilespmem:s4+$0x0] =	vst v4  }
0x35: {  	v4 =	vld [tilespmem:s23+$0x0];
	[tilespmem:s4+$0x10] =	vst v5  }
0x36: {  	s21 =	sadd.s32 $0x4, s21;
	v5 =	vld [tilespmem:s23+$0x10];
	[tilespmem:s4+$0xFFFFFFF0] =	vst v3;
	s4 =	smov.u32 s23  }
0x37: {  	p0 =	slt.u32 s21, $0xFC;
	v3 =	vld [tilespmem:s23+$0xFFFFFFF0];
	_ =	sdelay $0x1  }
.Ltmp0:
0x38: {  	v6 =	vmul.f32 v6, v2;
	(pc) =	sbr.rel @p0 .LBB2_2-.Ltmp0, $4  }
0x39: {  	v4 =	vmul.f32 v4, v2  }
0x3a: {  	v6 =	vadd.f32 v6, v1;
	v5 =	vmul.f32 v5, v2  }
0x3b: {  	v3 =	vmul.f32 v3, v2;
	v4 =	vadd.f32 v4, v1  }
0x3c: {  	s23 =	sadd.s32 $0x40, s23;
	[tilespmem:s4+$0xFFFFFFE0] =	vst v6;
	v5 =	vadd.f32 v5, v1  }
0x3d: {  	v1 =	vadd.f32 v3, v1;
	[tilespmem:s4+$0x0] =	vst v4  }
0x3e: {  	[tilespmem:s4+$0x10] =	vst v5  }
0x3f: {  	[tilespmem:s4+$0xFFFFFFF0] =	vst v1;
	s4 =	simm.s32 $0x0  }
0x40: {  	[tilespmem:s4], [sflag:$0x2] =	stream.linear.gather [hbm4b:s8+s4], $0x8000, $0x38;
	[tilespmem:$0x19200] =	vst v63  }
0x41: {  	_ = 	snop  }
0x42: {  	[tilespmem:s28], [sflag:$0x3] =	stream.linear.gather [hbm4b:s9+s4], $0x8000, $0x38;
	[tilespmem:$0x19200] =	vst v63  }
0x43: {  	_ =	swait.ge [sflag:s29], $0x8000  }
0x44: {  	s21 =	simm.s32 $0x18000;
	[sflag:s29] =	ssyncset.done $0x0  }
0x45: {  	s23 =	sand.u32 $0x70, s4;
	s25 =	sand.u32 $0x7C00, s4;
	[sflag:s29] =	ssyncadd.s32 $0xFFFF8000  }
0x46: {  	s23 =	sor.u32 s23, s25;
	v1 =	vld [tilespmem:s21+$0x0]  }
0x47: {  	v2 =	vld [tilespmem:s23+$0x300]  }
0x48: {  	v3 =	vld [tilespmem:s23+$0x180]  }
0x49: {  	v61 =	vld [tilespmem:s23+$0x280]  }
0x4a: {  	v62 =	vld [tilespmem:s23+$0x100]  }
0x4b: {  	v6 =	vld [tilespmem:s23+$0x80]  }
0x4c: {  	v7 =	vld [tilespmem:s23+$0x200];
	v2 =	vmul.f32 v2, v0  }
0x4d: {  	v8 =	vld [tilespmem:s23+$0x0];
	v3 =	vmul.f32 v3, v0  }
0x4e: {  	v4 =	vmul.f32 v61, v0;
	v2 =	vadd.f32 v2, v1  }
0x4f: {  	v5 =	vmul.f32 v62, v0;
	v3 =	vadd.f32 v3, v1  }
0x50: {  	v6 =	vmul.f32 v6, v0;
	v4 =	vadd.f32 v4, v1;
	[tilespmem:s23+$0x300] =	vst v2  }
0x51: {  	v2 =	vadd.f32 v5, v1;
	[tilespmem:s23+$0x180] =	vst v3;
	v3 =	vmul.f32 v7, v0  }
0x52: {  	v63 =	vmul.f32 v8, v0;
	v6 =	vadd.f32 v6, v1;
	[tilespmem:s23+$0x280] =	vst v4  }
0x53: {  	s26 =	sand.u32 $0x7, s4;
	[tilespmem:s23+$0x100] =	vst v2;
	v2 =	vadd.f32 v3, v1  }
0x54: {  	s25 =	sshll.u32 s26, $0x4;
	[tilespmem:s23+$0x80] =	vst v6;
	v3 =	vadd.f32 v63, v1  }
0x55: {  	s25 =	sadd.s32 $0x0, s25;
	[tilespmem:s23+$0x200] =	vst v2  }
0x56: {  	s26 =	sor.u32 $0x380, s25;
	[tilespmem:s23+$0x0] =	vst v3  }
0x57: {  	s25 =	simm.s32 $0x0;
	s23 =	simm.s32 $0x10;
	v2 =	vld [tilespmem:s26+$0x0]  }
.LBB2_4:
0x58: {  	_ =	sdelay $0x1  }
0x59: {  	s4 =	sadd.s32 $0x80, s4;
	s25 =	sadd.s32 $0x1, s25;
	s21 =	sadd.s32 $0x10, s21  }
0x5a: {  	p0 =	sne.s32 s23, $0xFF0;
	s6 =	smov.u32 s23;
	s23 =	sadd.s32 $0x10, s23  }
0x5b: {  	v2 =	vmul.f32 v2, v0;
	_ =	sdelay $0x1  }
0x5c: {  	v1 =	vadd.f32 v2, v1;
	_ =	sdelay $0x1  }
0x5d: {  	[tilespmem:s26+$0x0] =	vst v1  }
0x5e: {  	s6 =	sand.u32 $0x70, s6;
	s26 =	sand.u32 $0x7C00, s4  }
0x5f: {  	s6 =	sor.u32 s6, s26;
	v1 =	vld [tilespmem:s21+$0x0]  }
0x60: {  	v2 =	vld [tilespmem:s6+$0x300]  }
0x61: {  	v3 =	vld [tilespmem:s6+$0x180]  }
0x62: {  	v4 =	vld [tilespmem:s6+$0x280]  }
0x63: {  	v5 =	vld [tilespmem:s6+$0x100]  }
0x64: {  	v6 =	vld [tilespmem:s6+$0x80]  }
0x65: {  	v7 =	vld [tilespmem:s6+$0x200];
	v2 =	vmul.f32 v2, v0  }
0x66: {  	v8 =	vld [tilespmem:s6+$0x0];
	v3 =	vmul.f32 v3, v0  }
0x67: {  	v4 =	vmul.f32 v4, v0;
	v2 =	vadd.f32 v2, v1  }
0x68: {  	v5 =	vmul.f32 v5, v0;
	v3 =	vadd.f32 v3, v1  }
0x69: {  	v6 =	vmul.f32 v6, v0;
	v4 =	vadd.f32 v4, v1;
	[tilespmem:s6+$0x300] =	vst v2  }
0x6a: {  	v2 =	vadd.f32 v5, v1;
	[tilespmem:s6+$0x180] =	vst v3;
	v3 =	vmul.f32 v7, v0  }
0x6b: {  	v5 =	vmul.f32 v8, v0;
	v6 =	vadd.f32 v6, v1;
	[tilespmem:s6+$0x280] =	vst v4  }
.Ltmp1:
0x6c: {  	s26 =	sand.u32 $0x7, s25;
	[tilespmem:s6+$0x100] =	vst v2;
	v2 =	vadd.f32 v3, v1;
	(pc) =	sbr.rel @p0 .LBB2_4-.Ltmp1, $4  }
0x6d: {  	s26 =	sshll.u32 s26, $0x4;
	v3 =	vadd.f32 v5, v1;
	[tilespmem:s6+$0x80] =	vst v6  }
0x6e: {  	s26 =	sadd.s32 s26, s4;
	[tilespmem:s6+$0x200] =	vst v2  }
0x6f: {  	s26 =	sor.u32 $0x380, s26;
	[tilespmem:s6+$0x0] =	vst v3  }
0x70: {  	v2 =	vld [tilespmem:s26+$0x0]  }
0x71: {  	_ =	sdelay $0x3  }
0x72: {  	v2 =	vmul.f32 v2, v0;
	_ =	sdelay $0x1  }
0x73: {  	v1 =	vadd.f32 v2, v1;
	_ =	sdelay $0x1  }
0x74: {  	s4 =	simm.s32 $0x0;
	[tilespmem:s26+$0x0] =	vst v1  }
0x75: {  	[hbm4b:s10+s4] =	stream.linear.scatter [tilespmem:s4], [sflag:$0x5], $0x8000, $0x38;
	[tilespmem:$0x19200] =	vst v63  }
0x76: {  	_ = 	snop  }
0x77: {  	[tilespmem:s30], [sflag:$0x4] =	stream.linear.gather [hbm4b:s11+s4], $0x8000, $0x38;
	[tilespmem:$0x19200] =	vst v63  }
0x78: {  	_ =	swait.ge [sflag:s31], $0x8000  }
0x79: {  	s21 =	simm.s32 $0x18000;
	[sflag:s31] =	ssyncset.done $0x0  }
0x7a: {  	s6 =	sand.u32 $0x70, s4;
	s23 =	sand.u32 $0x7C00, s4;
	[sflag:s31] =	ssyncadd.s32 $0xFFFF8000  }
0x7b: {  	s6 =	sor.u32 s6, s23;
	v1 =	vld [tilespmem:s21+$0x0]  }
0x7c: {  	v2 =	vld [tilespmem:s6+$0x8300]  }
0x7d: {  	v3 =	vld [tilespmem:s6+$0x8180]  }
0x7e: {  	v4 =	vld [tilespmem:s6+$0x8280]  }
0x7f: {  	v5 =	vld [tilespmem:s6+$0x8100]  }
0x80: {  	v6 =	vld [tilespmem:s6+$0x8080]  }
0x81: {  	v7 =	vld [tilespmem:s6+$0x8200];
	v2 =	vmul.f32 v2, v0  }
0x82: {  	v8 =	vld [tilespmem:s6+$0x8000];
	v3 =	vmul.f32 v3, v0  }
0x83: {  	v4 =	vmul.f32 v4, v0;
	v2 =	vadd.f32 v2, v1  }
0x84: {  	v5 =	vmul.f32 v5, v0;
	v3 =	vadd.f32 v3, v1  }
0x85: {  	v6 =	vmul.f32 v6, v0;
	v4 =	vadd.f32 v4, v1;
	[tilespmem:s6+$0x8300] =	vst v2  }
0x86: {  	v2 =	vadd.f32 v5, v1;
	[tilespmem:s6+$0x8180] =	vst v3;
	v3 =	vmul.f32 v7, v0  }
0x87: {  	v63 =	vmul.f32 v8, v0;
	v6 =	vadd.f32 v6, v1;
	[tilespmem:s6+$0x8280] =	vst v4  }
0x88: {  	s26 =	sand.u32 $0x7, s4;
	[tilespmem:s6+$0x8100] =	vst v2;
	v2 =	vadd.f32 v3, v1  }
0x89: {  	s23 =	sshll.u32 s26, $0x4;
	[tilespmem:s6+$0x8080] =	vst v6;
	v3 =	vadd.f32 v63, v1  }
0x8a: {  	s23 =	sadd.s32 $0x0, s23;
	[tilespmem:s6+$0x8200] =	vst v2  }
0x8b: {  	s26 =	sor.u32 $0x380, s23;
	[tilespmem:s6+$0x8000] =	vst v3  }
0x8c: {  	s25 =	simm.s32 $0x0;
	s23 =	simm.s32 $0x10;
	v2 =	vld [tilespmem:s26+$0x8000]  }
.LBB2_6:
0x8d: {  	_ =	sdelay $0x1  }
0x8e: {  	s4 =	sadd.s32 $0x80, s4;
	s25 =	sadd.s32 $0x1, s25;
	s21 =	sadd.s32 $0x10, s21  }
0x8f: {  	p0 =	sne.s32 s23, $0xFF0;
	s6 =	smov.u32 s23;
	s23 =	sadd.s32 $0x10, s23  }
0x90: {  	v2 =	vmul.f32 v2, v0;
	_ =	sdelay $0x1  }
0x91: {  	v1 =	vadd.f32 v2, v1;
	_ =	sdelay $0x1  }
0x92: {  	[tilespmem:s26+$0x8000] =	vst v1  }
0x93: {  	s6 =	sand.u32 $0x70, s6;
	s26 =	sand.u32 $0x7C00, s4  }
0x94: {  	s6 =	sor.u32 s6, s26;
	v1 =	vld [tilespmem:s21+$0x0]  }
0x95: {  	v2 =	vld [tilespmem:s6+$0x8300]  }
0x96: {  	v3 =	vld [tilespmem:s6+$0x8180]  }
0x97: {  	v4 =	vld [tilespmem:s6+$0x8280]  }
0x98: {  	v5 =	vld [tilespmem:s6+$0x8100]  }
0x99: {  	v6 =	vld [tilespmem:s6+$0x8080]  }
0x9a: {  	v7 =	vld [tilespmem:s6+$0x8200];
	v2 =	vmul.f32 v2, v0  }
0x9b: {  	v8 =	vld [tilespmem:s6+$0x8000];
	v3 =	vmul.f32 v3, v0  }
0x9c: {  	v4 =	vmul.f32 v4, v0;
	v2 =	vadd.f32 v2, v1  }
0x9d: {  	v5 =	vmul.f32 v5, v0;
	v3 =	vadd.f32 v3, v1  }
0x9e: {  	v6 =	vmul.f32 v6, v0;
	v4 =	vadd.f32 v4, v1;
	[tilespmem:s6+$0x8300] =	vst v2  }
0x9f: {  	v2 =	vadd.f32 v5, v1;
	[tilespmem:s6+$0x8180] =	vst v3;
	v3 =	vmul.f32 v7, v0  }
0xa0: {  	v5 =	vmul.f32 v8, v0;
	v6 =	vadd.f32 v6, v1;
	[tilespmem:s6+$0x8280] =	vst v4  }
.Ltmp2:
0xa1: {  	s26 =	sand.u32 $0x7, s25;
	[tilespmem:s6+$0x8100] =	vst v2;
	v2 =	vadd.f32 v3, v1;
	(pc) =	sbr.rel @p0 .LBB2_6-.Ltmp2, $4  }
0xa2: {  	s26 =	sshll.u32 s26, $0x4;
	v3 =	vadd.f32 v5, v1;
	[tilespmem:s6+$0x8080] =	vst v6  }
0xa3: {  	s26 =	sadd.s32 s26, s4;
	[tilespmem:s6+$0x8200] =	vst v2  }
0xa4: {  	s26 =	sor.u32 $0x380, s26;
	[tilespmem:s6+$0x8000] =	vst v3  }
0xa5: {  	v2 =	vld [tilespmem:s26+$0x8000]  }
0xa6: {  	_ =	sdelay $0x3  }
0xa7: {  	v2 =	vmul.f32 v2, v0;
	_ =	sdelay $0x1  }
0xa8: {  	v1 =	vadd.f32 v2, v1;
	_ =	sdelay $0x1  }
0xa9: {  	s4 =	simm.s32 $0x0;
	[tilespmem:s26+$0x8000] =	vst v1  }
0xaa: {  	[hbm4b:s12+s4] =	stream.linear.scatter [tilespmem:s28], [sflag:$0x6], $0x8000, $0x38;
	[tilespmem:$0x19200] =	vst v63  }
0xab: {  	_ =	swait.ge [sflag:s3], $0x8000  }
0xac: {  	[sflag:s3] =	ssyncset.done $0x0  }
0xad: {  	[sflag:s3] =	ssyncadd.s32 $0xFFFF8000  }
0xae: {  	[tilespmem:s4], [sflag:$0x2] =	stream.linear.gather [hbm4b:s13+s4], $0x8000, $0x38;
	[tilespmem:$0x19200] =	vst v63  }
0xaf: {  	_ =	swait.ge [sflag:s0], $0x8000  }
0xb0: {  	s21 =	simm.s32 $0x18000;
	[sflag:s0] =	ssyncset.done $0x0  }
0xb1: {  	s6 =	sand.u32 $0x70, s4;
	s23 =	sand.u32 $0x7C00, s4;
	[sflag:s0] =	ssyncadd.s32 $0xFFFF8000  }
0xb2: {  	s6 =	sor.u32 s6, s23;
	v1 =	vld [tilespmem:s21+$0x0]  }
0xb3: {  	v2 =	vld [tilespmem:s6+$0x10300]  }
0xb4: {  	v3 =	vld [tilespmem:s6+$0x10180]  }
0xb5: {  	v4 =	vld [tilespmem:s6+$0x10280]  }
0xb6: {  	v5 =	vld [tilespmem:s6+$0x10100]  }
0xb7: {  	v6 =	vld [tilespmem:s6+$0x10080]  }
0xb8: {  	v7 =	vld [tilespmem:s6+$0x10200];
	v2 =	vmul.f32 v2, v0  }
0xb9: {  	v8 =	vld [tilespmem:s6+$0x10000];
	v3 =	vmul.f32 v3, v0  }
0xba: {  	v4 =	vmul.f32 v4, v0;
	v2 =	vadd.f32 v2, v1  }
0xbb: {  	v5 =	vmul.f32 v5, v0;
	v3 =	vadd.f32 v3, v1  }
0xbc: {  	v6 =	vmul.f32 v6, v0;
	v4 =	vadd.f32 v4, v1;
	[tilespmem:s6+$0x10300] =	vst v2  }
0xbd: {  	v2 =	vadd.f32 v5, v1;
	[tilespmem:s6+$0x10180] =	vst v3;
	v3 =	vmul.f32 v7, v0  }
0xbe: {  	v63 =	vmul.f32 v8, v0;
	v6 =	vadd.f32 v6, v1;
	[tilespmem:s6+$0x10280] =	vst v4  }
0xbf: {  	s26 =	sand.u32 $0x7, s4;
	[tilespmem:s6+$0x10100] =	vst v2;
	v2 =	vadd.f32 v3, v1  }
0xc0: {  	s23 =	sshll.u32 s26, $0x4;
	[tilespmem:s6+$0x10080] =	vst v6;
	v3 =	vadd.f32 v63, v1  }
0xc1: {  	s23 =	sadd.s32 $0x0, s23;
	[tilespmem:s6+$0x10200] =	vst v2  }
0xc2: {  	s26 =	sor.u32 $0x380, s23;
	[tilespmem:s6+$0x10000] =	vst v3  }
0xc3: {  	s25 =	simm.s32 $0x0;
	s23 =	simm.s32 $0x10;
	v2 =	vld [tilespmem:s26+$0x10000]  }
.LBB2_8:
0xc4: {  	_ =	sdelay $0x1  }
0xc5: {  	s4 =	sadd.s32 $0x80, s4;
	s25 =	sadd.s32 $0x1, s25;
	s21 =	sadd.s32 $0x10, s21  }
0xc6: {  	p0 =	sne.s32 s23, $0xFF0;
	s6 =	smov.u32 s23;
	s23 =	sadd.s32 $0x10, s23  }
0xc7: {  	v2 =	vmul.f32 v2, v0;
	_ =	sdelay $0x1  }
0xc8: {  	v1 =	vadd.f32 v2, v1;
	_ =	sdelay $0x1  }
0xc9: {  	[tilespmem:s26+$0x10000] =	vst v1  }
0xca: {  	s6 =	sand.u32 $0x70, s6;
	s26 =	sand.u32 $0x7C00, s4  }
0xcb: {  	s6 =	sor.u32 s6, s26;
	v1 =	vld [tilespmem:s21+$0x0]  }
0xcc: {  	v2 =	vld [tilespmem:s6+$0x10300]  }
0xcd: {  	v3 =	vld [tilespmem:s6+$0x10180]  }
0xce: {  	v4 =	vld [tilespmem:s6+$0x10280]  }
0xcf: {  	v5 =	vld [tilespmem:s6+$0x10100]  }
0xd0: {  	v6 =	vld [tilespmem:s6+$0x10080]  }
0xd1: {  	v7 =	vld [tilespmem:s6+$0x10200];
	v2 =	vmul.f32 v2, v0  }
0xd2: {  	v8 =	vld [tilespmem:s6+$0x10000];
	v3 =	vmul.f32 v3, v0  }
0xd3: {  	v4 =	vmul.f32 v4, v0;
	v2 =	vadd.f32 v2, v1  }
0xd4: {  	v5 =	vmul.f32 v5, v0;
	v3 =	vadd.f32 v3, v1  }
0xd5: {  	v6 =	vmul.f32 v6, v0;
	v4 =	vadd.f32 v4, v1;
	[tilespmem:s6+$0x10300] =	vst v2  }
0xd6: {  	v2 =	vadd.f32 v5, v1;
	[tilespmem:s6+$0x10180] =	vst v3;
	v3 =	vmul.f32 v7, v0  }
0xd7: {  	v5 =	vmul.f32 v8, v0;
	v6 =	vadd.f32 v6, v1;
	[tilespmem:s6+$0x10280] =	vst v4  }
.Ltmp3:
0xd8: {  	s26 =	sand.u32 $0x7, s25;
	[tilespmem:s6+$0x10100] =	vst v2;
	v2 =	vadd.f32 v3, v1;
	(pc) =	sbr.rel @p0 .LBB2_8-.Ltmp3, $4  }
0xd9: {  	s26 =	sshll.u32 s26, $0x4;
	v3 =	vadd.f32 v5, v1;
	[tilespmem:s6+$0x10080] =	vst v6  }
0xda: {  	s26 =	sadd.s32 s26, s4;
	[tilespmem:s6+$0x10200] =	vst v2  }
0xdb: {  	s26 =	sor.u32 $0x380, s26;
	[tilespmem:s6+$0x10000] =	vst v3  }
0xdc: {  	v2 =	vld [tilespmem:s26+$0x10000]  }
0xdd: {  	_ =	sdelay $0x3  }
0xde: {  	v2 =	vmul.f32 v2, v0;
	_ =	sdelay $0x1  }
0xdf: {  	v1 =	vadd.f32 v2, v1;
	_ =	sdelay $0x1  }
0xe0: {  	s4 =	simm.s32 $0x0;
	[tilespmem:s26+$0x10000] =	vst v1  }
0xe1: {  	[hbm4b:s14+s4] =	stream.linear.scatter [tilespmem:s30], [sflag:$0x7], $0x8000, $0x38;
	[tilespmem:$0x19200] =	vst v63  }
0xe2: {  	_ =	swait.ge [sflag:s1], $0x8000  }
0xe3: {  	[sflag:s1] =	ssyncset.done $0x0  }
0xe4: {  	[sflag:s1] =	ssyncadd.s32 $0xFFFF8000  }
0xe5: {  	[tilespmem:s28], [sflag:$0x3] =	stream.linear.gather [hbm4b:s15+s4], $0x8000, $0x38;
	[tilespmem:$0x19200] =	vst v63  }
0xe6: {  	_ =	swait.ge [sflag:s29], $0x8000  }
0xe7: {  	s21 =	simm.s32 $0x18000;
	[sflag:s29] =	ssyncset.done $0x0  }
0xe8: {  	s6 =	sand.u32 $0x70, s4;
	s23 =	sand.u32 $0x7C00, s4;
	[sflag:s29] =	ssyncadd.s32 $0xFFFF8000  }
0xe9: {  	s6 =	sor.u32 s6, s23;
	v1 =	vld [tilespmem:s21+$0x0]  }
0xea: {  	v2 =	vld [tilespmem:s6+$0x300]  }
0xeb: {  	v3 =	vld [tilespmem:s6+$0x180]  }
0xec: {  	v4 =	vld [tilespmem:s6+$0x280]  }
0xed: {  	v5 =	vld [tilespmem:s6+$0x100]  }
0xee: {  	v6 =	vld [tilespmem:s6+$0x80]  }
0xef: {  	v7 =	vld [tilespmem:s6+$0x200];
	v2 =	vmul.f32 v2, v0  }
0xf0: {  	v8 =	vld [tilespmem:s6+$0x0];
	v3 =	vmul.f32 v3, v0  }
0xf1: {  	v4 =	vmul.f32 v4, v0;
	v2 =	vadd.f32 v2, v1  }
0xf2: {  	v5 =	vmul.f32 v5, v0;
	v3 =	vadd.f32 v3, v1  }
0xf3: {  	v6 =	vmul.f32 v6, v0;
	v4 =	vadd.f32 v4, v1;
	[tilespmem:s6+$0x300] =	vst v2  }
0xf4: {  	v2 =	vadd.f32 v5, v1;
	[tilespmem:s6+$0x180] =	vst v3;
	v3 =	vmul.f32 v7, v0  }
0xf5: {  	v63 =	vmul.f32 v8, v0;
	v6 =	vadd.f32 v6, v1;
	[tilespmem:s6+$0x280] =	vst v4  }
0xf6: {  	s26 =	sand.u32 $0x7, s4;
	[tilespmem:s6+$0x100] =	vst v2;
	v2 =	vadd.f32 v3, v1  }
0xf7: {  	s23 =	sshll.u32 s26, $0x4;
	[tilespmem:s6+$0x80] =	vst v6;
	v3 =	vadd.f32 v63, v1  }
0xf8: {  	s23 =	sadd.s32 $0x0, s23;
	[tilespmem:s6+$0x200] =	vst v2  }
0xf9: {  	s26 =	sor.u32 $0x380, s23;
	[tilespmem:s6+$0x0] =	vst v3  }
0xfa: {  	s25 =	simm.s32 $0x0;
	s23 =	simm.s32 $0x10;
	v2 =	vld [tilespmem:s26+$0x0]  }
.LBB2_10:
0xfb: {  	_ =	sdelay $0x1  }
0xfc: {  	s4 =	sadd.s32 $0x80, s4;
	s25 =	sadd.s32 $0x1, s25;
	s21 =	sadd.s32 $0x10, s21  }
0xfd: {  	p0 =	sne.s32 s23, $0xFF0;
	s6 =	smov.u32 s23;
	s23 =	sadd.s32 $0x10, s23  }
0xfe: {  	v2 =	vmul.f32 v2, v0;
	_ =	sdelay $0x1  }
0xff: {  	v1 =	vadd.f32 v2, v1;
	_ =	sdelay $0x1  }
0x100: {  	[tilespmem:s26+$0x0] =	vst v1  }
0x101: {  	s6 =	sand.u32 $0x70, s6;
	s26 =	sand.u32 $0x7C00, s4  }
0x102: {  	s6 =	sor.u32 s6, s26;
	v1 =	vld [tilespmem:s21+$0x0]  }
0x103: {  	v2 =	vld [tilespmem:s6+$0x300]  }
0x104: {  	v3 =	vld [tilespmem:s6+$0x180]  }
0x105: {  	v4 =	vld [tilespmem:s6+$0x280]  }
0x106: {  	v5 =	vld [tilespmem:s6+$0x100]  }
0x107: {  	v6 =	vld [tilespmem:s6+$0x80]  }
0x108: {  	v7 =	vld [tilespmem:s6+$0x200];
	v2 =	vmul.f32 v2, v0  }
0x109: {  	v8 =	vld [tilespmem:s6+$0x0];
	v3 =	vmul.f32 v3, v0  }
0x10a: {  	v4 =	vmul.f32 v4, v0;
	v2 =	vadd.f32 v2, v1  }
0x10b: {  	v5 =	vmul.f32 v5, v0;
	v3 =	vadd.f32 v3, v1  }
0x10c: {  	v6 =	vmul.f32 v6, v0;
	v4 =	vadd.f32 v4, v1;
	[tilespmem:s6+$0x300] =	vst v2  }
0x10d: {  	v2 =	vadd.f32 v5, v1;
	[tilespmem:s6+$0x180] =	vst v3;
	v3 =	vmul.f32 v7, v0  }
0x10e: {  	v5 =	vmul.f32 v8, v0;
	v6 =	vadd.f32 v6, v1;
	[tilespmem:s6+$0x280] =	vst v4  }
.Ltmp4:
0x10f: {  	s26 =	sand.u32 $0x7, s25;
	[tilespmem:s6+$0x100] =	vst v2;
	v2 =	vadd.f32 v3, v1;
	(pc) =	sbr.rel @p0 .LBB2_10-.Ltmp4, $4  }
0x110: {  	s26 =	sshll.u32 s26, $0x4;
	v3 =	vadd.f32 v5, v1;
	[tilespmem:s6+$0x80] =	vst v6  }
0x111: {  	s26 =	sadd.s32 s26, s4;
	[tilespmem:s6+$0x200] =	vst v2  }
0x112: {  	s26 =	sor.u32 $0x380, s26;
	[tilespmem:s6+$0x0] =	vst v3  }
0x113: {  	v2 =	vld [tilespmem:s26+$0x0]  }
0x114: {  	_ =	sdelay $0x3  }
0x115: {  	v2 =	vmul.f32 v2, v0;
	_ =	sdelay $0x1  }
0x116: {  	v1 =	vadd.f32 v2, v1;
	_ =	sdelay $0x1  }
0x117: {  	s4 =	simm.s32 $0x0;
	[tilespmem:s26+$0x0] =	vst v1  }
0x118: {  	[hbm4b:s16+s4] =	stream.linear.scatter [tilespmem:s4], [sflag:$0x5], $0x8000, $0x38;
	[tilespmem:$0x19200] =	vst v63  }
0x119: {  	_ =	swait.ge [sflag:s31], $0x8000  }
0x11a: {  	s21 =	simm.s32 $0x18000;
	[sflag:s31] =	ssyncset.done $0x0  }
0x11b: {  	s6 =	sand.u32 $0x70, s4;
	s23 =	sand.u32 $0x7C00, s4;
	[sflag:s31] =	ssyncadd.s32 $0xFFFF8000  }
0x11c: {  	s6 =	sor.u32 s6, s23;
	v1 =	vld [tilespmem:s21+$0x0]  }
0x11d: {  	v2 =	vld [tilespmem:s6+$0x8300]  }
0x11e: {  	v3 =	vld [tilespmem:s6+$0x8180]  }
0x11f: {  	v4 =	vld [tilespmem:s6+$0x8280]  }
0x120: {  	v5 =	vld [tilespmem:s6+$0x8100]  }
0x121: {  	v6 =	vld [tilespmem:s6+$0x8080]  }
0x122: {  	v7 =	vld [tilespmem:s6+$0x8200];
	v2 =	vmul.f32 v2, v0  }
0x123: {  	v8 =	vld [tilespmem:s6+$0x8000];
	v3 =	vmul.f32 v3, v0  }
0x124: {  	v4 =	vmul.f32 v4, v0;
	v2 =	vadd.f32 v2, v1  }
0x125: {  	v5 =	vmul.f32 v5, v0;
	v3 =	vadd.f32 v3, v1  }
0x126: {  	v6 =	vmul.f32 v6, v0;
	v4 =	vadd.f32 v4, v1;
	[tilespmem:s6+$0x8300] =	vst v2  }
0x127: {  	v2 =	vadd.f32 v5, v1;
	[tilespmem:s6+$0x8180] =	vst v3;
	v3 =	vmul.f32 v7, v0  }
0x128: {  	v63 =	vmul.f32 v8, v0;
	v6 =	vadd.f32 v6, v1;
	[tilespmem:s6+$0x8280] =	vst v4  }
0x129: {  	s26 =	sand.u32 $0x7, s4;
	[tilespmem:s6+$0x8100] =	vst v2;
	v2 =	vadd.f32 v3, v1  }
0x12a: {  	s23 =	sshll.u32 s26, $0x4;
	[tilespmem:s6+$0x8080] =	vst v6;
	v3 =	vadd.f32 v63, v1  }
0x12b: {  	s23 =	sadd.s32 $0x0, s23;
	[tilespmem:s6+$0x8200] =	vst v2  }
0x12c: {  	s26 =	sor.u32 $0x380, s23;
	[tilespmem:s6+$0x8000] =	vst v3  }
0x12d: {  	s25 =	simm.s32 $0x0;
	s23 =	simm.s32 $0x10;
	v2 =	vld [tilespmem:s26+$0x8000]  }
.LBB2_12:
0x12e: {  	_ =	sdelay $0x1  }
0x12f: {  	s4 =	sadd.s32 $0x80, s4;
	s25 =	sadd.s32 $0x1, s25;
	s21 =	sadd.s32 $0x10, s21  }
0x130: {  	p0 =	sne.s32 s23, $0xFF0;
	s6 =	smov.u32 s23;
	s23 =	sadd.s32 $0x10, s23  }
0x131: {  	v2 =	vmul.f32 v2, v0;
	_ =	sdelay $0x1  }
0x132: {  	v1 =	vadd.f32 v2, v1;
	_ =	sdelay $0x1  }
0x133: {  	[tilespmem:s26+$0x8000] =	vst v1  }
0x134: {  	s6 =	sand.u32 $0x70, s6;
	s26 =	sand.u32 $0x7C00, s4  }
0x135: {  	s6 =	sor.u32 s6, s26;
	v1 =	vld [tilespmem:s21+$0x0]  }
0x136: {  	v2 =	vld [tilespmem:s6+$0x8300]  }
0x137: {  	v3 =	vld [tilespmem:s6+$0x8180]  }
0x138: {  	v4 =	vld [tilespmem:s6+$0x8280]  }
0x139: {  	v5 =	vld [tilespmem:s6+$0x8100]  }
0x13a: {  	v6 =	vld [tilespmem:s6+$0x8080]  }
0x13b: {  	v7 =	vld [tilespmem:s6+$0x8200];
	v2 =	vmul.f32 v2, v0  }
0x13c: {  	v8 =	vld [tilespmem:s6+$0x8000];
	v3 =	vmul.f32 v3, v0  }
0x13d: {  	v4 =	vmul.f32 v4, v0;
	v2 =	vadd.f32 v2, v1  }
0x13e: {  	v5 =	vmul.f32 v5, v0;
	v3 =	vadd.f32 v3, v1  }
0x13f: {  	v6 =	vmul.f32 v6, v0;
	v4 =	vadd.f32 v4, v1;
	[tilespmem:s6+$0x8300] =	vst v2  }
0x140: {  	v2 =	vadd.f32 v5, v1;
	[tilespmem:s6+$0x8180] =	vst v3;
	v3 =	vmul.f32 v7, v0  }
0x141: {  	v5 =	vmul.f32 v8, v0;
	v6 =	vadd.f32 v6, v1;
	[tilespmem:s6+$0x8280] =	vst v4  }
.Ltmp5:
0x142: {  	s26 =	sand.u32 $0x7, s25;
	[tilespmem:s6+$0x8100] =	vst v2;
	v2 =	vadd.f32 v3, v1;
	(pc) =	sbr.rel @p0 .LBB2_12-.Ltmp5, $4  }
0x143: {  	s26 =	sshll.u32 s26, $0x4;
	v3 =	vadd.f32 v5, v1;
	[tilespmem:s6+$0x8080] =	vst v6  }
0x144: {  	s26 =	sadd.s32 s26, s4;
	[tilespmem:s6+$0x8200] =	vst v2  }
0x145: {  	s26 =	sor.u32 $0x380, s26;
	[tilespmem:s6+$0x8000] =	vst v3  }
0x146: {  	v2 =	vld [tilespmem:s26+$0x8000]  }
0x147: {  	_ =	sdelay $0x3  }
0x148: {  	v0 =	vmul.f32 v2, v0;
	_ =	sdelay $0x1  }
0x149: {  	v0 =	vadd.f32 v0, v1;
	_ =	sdelay $0x1  }
0x14a: {  	s2 =	sadd.s32 $0x1, s2;
	[tilespmem:s26+$0x8000] =	vst v0  }
0x14b: {  	[hbm4b:s17+s5] =	stream.linear.scatter [tilespmem:s28], [sflag:$0x6], $0x8000, $0x38;
	[tilespmem:$0x19200] =	vst v63  }
0x14c: {  	p0 =	sne.s32 s2, s18;
	_ =	swait.ge [sflag:s3], $0x8000  }
.Ltmp6:
0x14d: {  	[sflag:s3] =	ssyncset.done $0x0;
	(pc) =	sbr.rel @p0 .LBB2_1-.Ltmp6, $4  }
0x14e: {  	[sflag:s3] =	ssyncadd.s32 $0xFFFF8000  }
0x14f: {  	_ =	swait.ge [sflag:s1], $0x8000  }
0x150: {  	[sflag:s1] =	ssyncset.done $0x0  }
0x151: {  	[sflag:s1] =	ssyncadd.s32 $0xFFFF8000  }
0x152: {  	_ =	sfence.sel $0x180000  }
0x153: {  	[bflag:$0x0] =	sbarrier.arrive $0xFFFF  }
0x154: {  	_ =	strace $0x90000047  }
0x155: {  	s0 =	stileid.u32;
	[bflag:$0x2] =	sbarrier.arrive $0xFFFF  }
0x156: {  	p0 =	sne.s32 s0, $0x0;
	s0 =	rddreg [dreg:$0x6]  }
0x157: {  	s0 =	sadd.s32 @!p0 $0x100000, s0  }
0x158: {  	[sflag:s0] =	ssyncadd.tile.s32 @!p0 $0x1;
	_ =	shalt  }
.Lfunc_end2:
_tile_overlayer_lowered:
.L_overlay_start_2:
0x159: {  	(tag) =	ssettag $0x2  }
0x15a: {  	s0 =	rddreg [dreg:$0x0];
	s2 =	stileid.u32  }
0x15b: {  	s1 =	rddreg [dreg:$0x1];
	p0 =	sne.s32 s2, $0x0  }
0x15c: {  	s3 =	rddreg [dreg:$0x2];
	[bflag:$0x3] =	sbarrier.arrive $0xFFFF;
	s2 =	simm.s32 @!p0 $0x1C08  }
0x15d: {  	[timem:s3], [sflag:s2] =	dma.local @!p0 [hbm:s0], s1  }
0x15e: {  	s0 =	simm.s32 @!p0 $0x8  }
0x15f: {  	_ =	swait.ge @!p0 [sflag:s0], s1  }
0x160: {  	s1 =	ssub.s32 @!p0 $0x0, s1;
	[sflag:s0] =	ssyncset.done @!p0 $0x0  }
0x161: {  	[sflag:s0] =	ssyncadd.s32 @!p0 s1  }
0x162: {  	[bflag:$0x3] =	sbarrier.arrive $0xFFFF  }
0x163: {  	_ =	shalt  }

</sc_bundles>
